<compile_context>
chip_gen: v7x
topology: tpu7x:2x2x1
jax: 0.10.2.dev20260603
libtpu: 0.0.44.dev20260713+nightly
codegen_flags: <defaults>
</compile_context>

<pallas_src>
import jax
import jax.numpy as jnp
from jax import lax
from jax.experimental import pallas as pl
from jax.experimental.pallas import tpu as pltpu
from jax.experimental.pallas import tpu_sc as plsc

_B, _M, _W, _R, _K = 32, 16384, 64, 8, 8

_INFO = plsc.get_sparse_core_info()
_NC, _NS = _INFO.num_cores, _INFO.num_subcores
_NWK = _NC * _NS
_NROW = _R * _B * _K
_JPW = _NROW // _NWK


_F = 8
_Q = _M // _F


def _knn_body(bd_ref, rk_ref, sp_ref, m2_ref, d_ref, i_ref):
    bd = bd_ref[0]
    s2 = sp_ref[0]
    rk = rk_ref[0]
    m2 = m2_ref[0]
    b = pl.program_id(0)
    k2 = jnp.sum(rk * rk, axis=1, keepdims=True)
    crossb = jax.lax.dot_general(
        bd.astype(jnp.bfloat16), s2.astype(jnp.bfloat16), (((1,), (1,)), ((), ())),
        preferred_element_type=jnp.float32)
    m2v = jnp.concatenate([m2] * _R, axis=0)
    k2v = jnp.broadcast_to(k2[:, None, :], (_R, _F, 1)).reshape(_R * _F, 1)
    d2 = (k2v + m2v) - 2.0 * crossb
    d3 = d2.reshape(_R, _F, _Q)
    iota_q = jax.lax.broadcasted_iota(jnp.int32, (_R, _F, _Q), 2)
    iota_p = jax.lax.broadcasted_iota(jnp.int32, (_R, _F, _Q), 1)
    iota3 = iota_q * _F + iota_p
    d = d3
    vals, idxs = [], []
    for _ in range(_K):
        mv = jnp.min(jnp.min(d, axis=2, keepdims=True), axis=1, keepdims=True)
        cand = jnp.where(d == mv, iota3, _M)
        mi = jnp.min(jnp.min(cand, axis=2, keepdims=True), axis=1, keepdims=True)
        vals.append(mv.reshape(_R, 1))
        idxs.append(mi.reshape(_R, 1))
        d = jnp.where(cand == mi, jnp.float32(jnp.inf), d)
    d_ref[...] = jnp.concatenate(vals, axis=1).reshape(1, _R, _K)
    i_ref[...] = (jnp.concatenate(idxs, axis=1) + b * _M).reshape(1, _R, _K)


def _norm_body(d_ref, w_ref):
    d = d_ref[...]
    mk = jnp.max(d, axis=2, keepdims=True)
    mb = jnp.max(mk, axis=0, keepdims=True)
    w_ref[...] = d / mb


def _gather_body(fidx_hbm, sp_hbm, out_hbm, fid_v, rows_v, sem):
    wid = lax.axis_index("s") * _NC + lax.axis_index("c")
    pltpu.sync_copy(fidx_hbm.at[pl.ds(wid * _JPW, _JPW)], fid_v)
    pltpu.async_copy(sp_hbm.at[fid_v], rows_v, sem).wait()
    for r in range(_R):
        pltpu.sync_copy(rows_v.at[pl.ds(r * _K, _K)],
                        out_hbm.at[pl.ds(r * (_B * _K) + wid * _K, _K)])


def _half_body(x_ref, p_ref, o_ref):
    x = x_ref[...]
    p = p_ref[...]
    o_ref[...] = jnp.where(p != 0, x[:, _W:], x[:, :_W])


def kernel(xi, sparse, W_rk, b_rk, W_wk, b_wk, W_wv, b_wv, W_wg, b_wg):
    rk = (jax.lax.dot_general(
        xi.astype(jnp.bfloat16), W_rk.astype(jnp.bfloat16), (((1,), (0,)), ((), ())),
        preferred_element_type=jnp.float32) + b_rk).reshape(_B, _R, _W)
    eye = jnp.eye(_F, dtype=jnp.float32)
    bdiag = (rk[:, :, :, None, None] * eye[None, None, None, :, :]
             ).transpose(0, 1, 3, 4, 2).reshape(_B, _R * _F, _F * _W)
    m2 = jnp.sum(sparse ** 2, axis=-1)
    m2f = m2.reshape(_B, _Q, _F).transpose(0, 2, 1)
    sp_fold = sparse.reshape(_B, _Q, _F * _W)

    dists, fidx = pl.pallas_call(
        _knn_body,
        grid=(_B,),
        in_specs=[
            pl.BlockSpec((1, _R * _F, _F * _W), lambda b: (b, 0, 0)),
            pl.BlockSpec((1, _R, _W), lambda b: (b, 0, 0)),
            pl.BlockSpec((1, _Q, _F * _W), lambda b: (b, 0, 0)),
            pl.BlockSpec((1, _F, _Q), lambda b: (b, 0, 0)),
        ],
        out_specs=[
            pl.BlockSpec((1, _R, _K), lambda b: (b, 0, 0)),
            pl.BlockSpec((1, _R, _K), lambda b: (b, 0, 0)),
        ],
        out_shape=[
            jax.ShapeDtypeStruct((_B, _R, _K), jnp.float32),
            jax.ShapeDtypeStruct((_B, _R, _K), jnp.int32),
        ],
    )(bdiag, rk, sp_fold, m2f)

    gcall = pl.kernel(
        _gather_body,
        mesh=plsc.VectorSubcoreMesh(core_axis_name="c", subcore_axis_name="s"),
        out_type=jax.ShapeDtypeStruct((_NROW, 2 * _W), jnp.float32),
        scratch_types=[
            pltpu.VMEM((_JPW,), jnp.int32),
            pltpu.VMEM((_JPW, 2 * _W), jnp.float32),
            pltpu.SemaphoreType.DMA,
        ],
    )
    pairs = gcall((fidx >> 1).reshape(_NROW), sparse.reshape(_B * _M // 2, 2 * _W))
    parity = jnp.transpose((fidx & 1).reshape(_B, _R, _K), (1, 0, 2)).reshape(_NROW, 1)
    rv = pl.pallas_call(
        _half_body,
        out_shape=jax.ShapeDtypeStruct((_NROW, _W), jnp.float32),
    )(pairs, parity).reshape(_R, _B, _K, _W)

    wts = pl.pallas_call(
        _norm_body,
        out_shape=jax.ShapeDtypeStruct((_B, _R, _K), jnp.float32),
    )(dists)
    return rv, jnp.transpose(wts, (1, 0, 2))

# --- scband reference (transcript-rebuilt; emitter-appended) ---
"""Pipeline reference for scband-sparse-memory-50362786513310 (READ-ONLY COPY).

The authoritative reference and input builder live on the scoring server;
editing this copy changes nothing except your own understanding.
"""

import jax, jax.numpy as jnp
import numpy as np

B, M, W, R, K, IN = 32, 16384, 64, 8, 8, 1024


def setup_inputs(seed: int = 0):
    key = jax.random.key(seed)
    ks = jax.random.split(key, 10)
    s = 1.0 / np.sqrt(IN)
    inp = {}
    inp['xi'] = jax.random.normal(ks[0], (B, IN), dtype=jnp.float32)
    inp['sparse'] = jax.random.normal(ks[1], (B, M, W), dtype=jnp.float32)
    inp['W_rk'] = jax.random.uniform(ks[2], (IN, R * W), minval=-s, maxval=s, dtype=jnp.float32)
    inp['b_rk'] = jax.random.uniform(ks[3], (R * W,), minval=-s, maxval=s, dtype=jnp.float32)
    inp['W_wk'] = jax.random.uniform(ks[4], (IN, W), minval=-s, maxval=s, dtype=jnp.float32)
    inp['b_wk'] = jax.random.uniform(ks[5], (W,), minval=-s, maxval=s, dtype=jnp.float32)
    inp['W_wv'] = jax.random.uniform(ks[6], (IN, W), minval=-s, maxval=s, dtype=jnp.float32)
    inp['b_wv'] = jax.random.uniform(ks[7], (W,), minval=-s, maxval=s, dtype=jnp.float32)
    inp['W_wg'] = jax.random.uniform(ks[8], (IN, 1), minval=-s, maxval=s, dtype=jnp.float32)
    inp['b_wg'] = jax.random.uniform(ks[9], (1,), minval=-s, maxval=s, dtype=jnp.float32)
    return inp


def reference(xi, sparse, W_rk, b_rk, W_wk, b_wk, W_wv, b_wv, W_wg, b_wg):
    b = xi.shape[0]
    # interface transforms (independent_linears=True path)
    read_keys = (xi @ W_rk + b_rk).reshape(b, R, W)
    write_key = (xi @ W_wk + b_wk).reshape(b, 1, W)
    write_vector = (xi @ W_wv + b_wv).reshape(b, 1, W)
    write_gate = jax.nn.sigmoid((xi @ W_wg + b_wg).reshape(b, 1))
    # write() is a no-op in the original module (returns hidden unchanged)
    # read_from_sparse_memory: FLANN kd-tree approximate KNN replaced by exact KNN
    k2 = jnp.sum(read_keys ** 2, axis=-1)  # [b, R]
    m2 = jnp.sum(sparse ** 2, axis=-1)  # [b, M]
    cross = jnp.einsum('brw,bmw->brm', read_keys, sparse)  # [b, R, M]
    d2 = k2[..., None] + m2[:, None, :] - 2.0 * cross  # squared euclidean distances
    neg_d, idx = jax.lax.top_k(-d2, K)  # K nearest neighbors per (batch, head)
    dists = -neg_d  # [b, R, K]
    # gather read vectors from per-batch memory
    read_vectors = jax.vmap(lambda mem, ix: mem[ix])(sparse, idx)  # [b, R, K, W]
    # original stacks over read heads first: [R, b, K, W]
    read_vectors = jnp.transpose(read_vectors, (1, 0, 2, 3))
    dists_t = jnp.transpose(dists, (1, 0, 2))  # [R, b, K]
    # distances / max(distances) per read head, as in the original loop
    read_weights = dists_t / jnp.max(dists_t, axis=(1, 2), keepdims=True)
    return (read_vectors, read_weights)

if __name__ == "__main__":
    import jax
    _d = setup_inputs()
    print(jax.jit(kernel)(*tuple(_d.values())))

</pallas_src>

<mosaic_0001>
#map = affine_map<(d0, d1) -> (0)>
#map1 = affine_map<(d0, d1) -> (0, 0)>
module attributes {stable_mosaic.version = 14 : i64} {
  func.func @_gather_body(%arg0: i32, %arg1: i32, %arg2: memref<2048xi32, #tpu.memory_space<hbm>>, %arg3: memref<262144x128xf32, #tpu.memory_space<hbm>>, %arg4: memref<2048x128xf32, #tpu.memory_space<hbm>>, %arg5: memref<64xi32, #tpu.memory_space<vmem>>, %arg6: memref<64x128xf32, #tpu.memory_space<vmem>>, %arg7: memref<!tpu.dma_semaphore, #tpu.memory_space<semaphore_mem>>) attributes {dimension_semantics = [#tpu.dimension_semantics<core_parallel>, #tpu.dimension_semantics<subcore_parallel>], iteration_bounds = array<i64: 2, 16>, scalar_prefetch = 0 : i64, scratch_operands = 3 : i64, tpu.core_type = #tpu.core_type<sc_vector_subcore>, window_params = [{transform_indices = #map}, {transform_indices = #map1}, {transform_indices = #map1}]} {
    %mul3A = arith.constant 2 : i32
    %mul3A_0 = arith.muli %arg1, %mul3A : i32
    %add3A = arith.addi %mul3A_0, %arg0 : i32
    %mul3A_1 = arith.constant 64 : i32
    %mul3A_2 = arith.muli %add3A, %mul3A_1 : i32
    "tpu.region"() ({
      %run_scoped3A = tpu.sem_alloc : memref<!tpu.dma_semaphore, #tpu.memory_space<semaphore_mem>>
      %dma_start3A_39 = tpu.memref_slice %arg2[%mul3A_2] : memref<2048xi32, #tpu.memory_space<hbm>> -> memref<64xi32, #tpu.memory_space<hbm>>
      %dma_start3A_40 = tpu.memref_slice %arg2[%mul3A_2] : memref<2048xi32, #tpu.memory_space<hbm>> -> memref<64xi32, #tpu.memory_space<hbm>>
      tpu.enqueue_dma source(%dma_start3A_40 : memref<64xi32, #tpu.memory_space<hbm>>) target(%arg5 : memref<64xi32, #tpu.memory_space<vmem>>) target_semaphore(%run_scoped3A : memref<!tpu.dma_semaphore, #tpu.memory_space<semaphore_mem>>)
      %dma_wait3A_41 = tpu.memref_slice %arg2[%mul3A_2] : memref<2048xi32, #tpu.memory_space<hbm>> -> memref<64xi32, #tpu.memory_space<hbm>>
      %dma_wait3A_42 = tpu.memref_slice %arg2[%mul3A_2] : memref<2048xi32, #tpu.memory_space<hbm>> -> memref<64xi32, #tpu.memory_space<hbm>>
      tpu.wait_dma2 semaphore(%run_scoped3A : memref<!tpu.dma_semaphore, #tpu.memory_space<semaphore_mem>>) src(%dma_wait3A_42 : memref<64xi32, #tpu.memory_space<hbm>>) dst(%arg5 : memref<64xi32, #tpu.memory_space<vmem>>)
      tpu.yield
    }) : () -> ()
    %dma_start3A = arith.constant 0 : i32
    %dma_start3A_3 = arith.constant 0 : i32
    %dma_start3A_4 = tpu.memref_slice %arg3[%dma_start3A, %dma_start3A_3] : memref<262144x128xf32, #tpu.memory_space<hbm>> -> memref<262144x128xf32, #tpu.memory_space<hbm>>
    tpu.enqueue_indirect_dma source(%dma_start3A_4 : memref<262144x128xf32, #tpu.memory_space<hbm>>) target(%arg6 : memref<64x128xf32, #tpu.memory_space<vmem>>) offsets(%arg5 : memref<64xi32, #tpu.memory_space<vmem>>) semaphore(%arg7 : memref<!tpu.dma_semaphore, #tpu.memory_space<semaphore_mem>>)
    %dma_wait3A = arith.constant 0 : i32
    %dma_wait3A_5 = arith.constant 0 : i32
    %dma_wait3A_6 = tpu.memref_slice %arg3[%dma_wait3A, %dma_wait3A_5] : memref<262144x128xf32, #tpu.memory_space<hbm>> -> memref<262144x128xf32, #tpu.memory_space<hbm>>
    tpu.wait_indirect_dma semaphore(%arg7 : memref<!tpu.dma_semaphore, #tpu.memory_space<semaphore_mem>>) src(%dma_wait3A_6 : memref<262144x128xf32, #tpu.memory_space<hbm>>) dst(%arg6 : memref<64x128xf32, #tpu.memory_space<vmem>>)
    %mul3A_7 = arith.constant 8 : i32
    %mul3A_8 = arith.muli %add3A, %mul3A_7 : i32
    %add3A_9 = arith.constant 0 : i32
    %add3A_10 = arith.addi %add3A_9, %mul3A_8 : i32
    "tpu.region"() ({
      %run_scoped3A = tpu.sem_alloc : memref<!tpu.dma_semaphore, #tpu.memory_space<semaphore_mem>>
      %dma_start3A_39 = arith.constant 0 : i32
      %dma_start3A_40 = arith.constant 0 : i32
      %dma_start3A_41 = tpu.memref_slice %arg6[%dma_start3A_39, %dma_start3A_40] : memref<64x128xf32, #tpu.memory_space<vmem>> -> memref<8x128xf32, #tpu.memory_space<vmem>>
      %dma_start3A_42 = arith.constant 0 : i32
      %dma_start3A_43 = tpu.memref_slice %arg4[%add3A_10, %dma_start3A_42] : memref<2048x128xf32, #tpu.memory_space<hbm>> -> memref<8x128xf32, #tpu.memory_space<hbm>>
      %dma_start3A_44 = arith.constant 0 : i32
      %dma_start3A_45 = tpu.memref_slice %arg4[%add3A_10, %dma_start3A_44] : memref<2048x128xf32, #tpu.memory_space<hbm>> -> memref<8x128xf32, #tpu.memory_space<hbm>>
      %dma_start3A_46 = arith.constant 0 : i32
      %dma_start3A_47 = arith.constant 0 : i32
      %dma_start3A_48 = tpu.memref_slice %arg6[%dma_start3A_46, %dma_start3A_47] : memref<64x128xf32, #tpu.memory_space<vmem>> -> memref<8x128xf32, #tpu.memory_space<vmem>>
      tpu.enqueue_dma source(%dma_start3A_48 : memref<8x128xf32, #tpu.memory_space<vmem>>) target(%dma_start3A_45 : memref<8x128xf32, #tpu.memory_space<hbm>>) target_semaphore(%run_scoped3A : memref<!tpu.dma_semaphore, #tpu.memory_space<semaphore_mem>>)
      %dma_wait3A_49 = arith.constant 0 : i32
      %dma_wait3A_50 = arith.constant 0 : i32
      %dma_wait3A_51 = tpu.memref_slice %arg6[%dma_wait3A_49, %dma_wait3A_50] : memref<64x128xf32, #tpu.memory_space<vmem>> -> memref<8x128xf32, #tpu.memory_space<vmem>>
      %dma_wait3A_52 = arith.constant 0 : i32
      %dma_wait3A_53 = tpu.memref_slice %arg4[%add3A_10, %dma_wait3A_52] : memref<2048x128xf32, #tpu.memory_space<hbm>> -> memref<8x128xf32, #tpu.memory_space<hbm>>
      %dma_wait3A_54 = arith.constant 0 : i32
      %dma_wait3A_55 = tpu.memref_slice %arg4[%add3A_10, %dma_wait3A_54] : memref<2048x128xf32, #tpu.memory_space<hbm>> -> memref<8x128xf32, #tpu.memory_space<hbm>>
      %dma_wait3A_56 = arith.constant 0 : i32
      %dma_wait3A_57 = arith.constant 0 : i32
      %dma_wait3A_58 = tpu.memref_slice %arg6[%dma_wait3A_56, %dma_wait3A_57] : memref<64x128xf32, #tpu.memory_space<vmem>> -> memref<8x128xf32, #tpu.memory_space<vmem>>
      tpu.wait_dma2 semaphore(%run_scoped3A : memref<!tpu.dma_semaphore, #tpu.memory_space<semaphore_mem>>) src(%dma_wait3A_58 : memref<8x128xf32, #tpu.memory_space<vmem>>) dst(%dma_wait3A_55 : memref<8x128xf32, #tpu.memory_space<hbm>>)
      tpu.yield
    }) : () -> ()
    %mul3A_11 = arith.constant 8 : i32
    %mul3A_12 = arith.muli %add3A, %mul3A_11 : i32
    %add3A_13 = arith.constant 256 : i32
    %add3A_14 = arith.addi %add3A_13, %mul3A_12 : i32
    "tpu.region"() ({
      %run_scoped3A = tpu.sem_alloc : memref<!tpu.dma_semaphore, #tpu.memory_space<semaphore_mem>>
      %dma_start3A_39 = arith.constant 8 : i32
      %dma_start3A_40 = arith.constant 0 : i32
      %dma_start3A_41 = tpu.memref_slice %arg6[%dma_start3A_39, %dma_start3A_40] : memref<64x128xf32, #tpu.memory_space<vmem>> -> memref<8x128xf32, #tpu.memory_space<vmem>>
      %dma_start3A_42 = arith.constant 0 : i32
      %dma_start3A_43 = tpu.memref_slice %arg4[%add3A_14, %dma_start3A_42] : memref<2048x128xf32, #tpu.memory_space<hbm>> -> memref<8x128xf32, #tpu.memory_space<hbm>>
      %dma_start3A_44 = arith.constant 0 : i32
      %dma_start3A_45 = tpu.memref_slice %arg4[%add3A_14, %dma_start3A_44] : memref<2048x128xf32, #tpu.memory_space<hbm>> -> memref<8x128xf32, #tpu.memory_space<hbm>>
      %dma_start3A_46 = arith.constant 8 : i32
      %dma_start3A_47 = arith.constant 0 : i32
      %dma_start3A_48 = tpu.memref_slice %arg6[%dma_start3A_46, %dma_start3A_47] : memref<64x128xf32, #tpu.memory_space<vmem>> -> memref<8x128xf32, #tpu.memory_space<vmem>>
      tpu.enqueue_dma source(%dma_start3A_48 : memref<8x128xf32, #tpu.memory_space<vmem>>) target(%dma_start3A_45 : memref<8x128xf32, #tpu.memory_space<hbm>>) target_semaphore(%run_scoped3A : memref<!tpu.dma_semaphore, #tpu.memory_space<semaphore_mem>>)
      %dma_wait3A_49 = arith.constant 8 : i32
      %dma_wait3A_50 = arith.constant 0 : i32
      %dma_wait3A_51 = tpu.memref_slice %arg6[%dma_wait3A_49, %dma_wait3A_50] : memref<64x128xf32, #tpu.memory_space<vmem>> -> memref<8x128xf32, #tpu.memory_space<vmem>>
      %dma_wait3A_52 = arith.constant 0 : i32
      %dma_wait3A_53 = tpu.memref_slice %arg4[%add3A_14, %dma_wait3A_52] : memref<2048x128xf32, #tpu.memory_space<hbm>> -> memref<8x128xf32, #tpu.memory_space<hbm>>
      %dma_wait3A_54 = arith.constant 0 : i32
      %dma_wait3A_55 = tpu.memref_slice %arg4[%add3A_14, %dma_wait3A_54] : memref<2048x128xf32, #tpu.memory_space<hbm>> -> memref<8x128xf32, #tpu.memory_space<hbm>>
      %dma_wait3A_56 = arith.constant 8 : i32
      %dma_wait3A_57 = arith.constant 0 : i32
      %dma_wait3A_58 = tpu.memref_slice %arg6[%dma_wait3A_56, %dma_wait3A_57] : memref<64x128xf32, #tpu.memory_space<vmem>> -> memref<8x128xf32, #tpu.memory_space<vmem>>
      tpu.wait_dma2 semaphore(%run_scoped3A : memref<!tpu.dma_semaphore, #tpu.memory_space<semaphore_mem>>) src(%dma_wait3A_58 : memref<8x128xf32, #tpu.memory_space<vmem>>) dst(%dma_wait3A_55 : memref<8x128xf32, #tpu.memory_space<hbm>>)
      tpu.yield
    }) : () -> ()
    %mul3A_15 = arith.constant 8 : i32
    %mul3A_16 = arith.muli %add3A, %mul3A_15 : i32
    %add3A_17 = arith.constant 512 : i32
    %add3A_18 = arith.addi %add3A_17, %mul3A_16 : i32
    "tpu.region"() ({
      %run_scoped3A = tpu.sem_alloc : memref<!tpu.dma_semaphore, #tpu.memory_space<semaphore_mem>>
      %dma_start3A_39 = arith.constant 16 : i32
      %dma_start3A_40 = arith.constant 0 : i32
      %dma_start3A_41 = tpu.memref_slice %arg6[%dma_start3A_39, %dma_start3A_40] : memref<64x128xf32, #tpu.memory_space<vmem>> -> memref<8x128xf32, #tpu.memory_space<vmem>>
      %dma_start3A_42 = arith.constant 0 : i32
      %dma_start3A_43 = tpu.memref_slice %arg4[%add3A_18, %dma_start3A_42] : memref<2048x128xf32, #tpu.memory_space<hbm>> -> memref<8x128xf32, #tpu.memory_space<hbm>>
      %dma_start3A_44 = arith.constant 0 : i32
      %dma_start3A_45 = tpu.memref_slice %arg4[%add3A_18, %dma_start3A_44] : memref<2048x128xf32, #tpu.memory_space<hbm>> -> memref<8x128xf32, #tpu.memory_space<hbm>>
      %dma_start3A_46 = arith.constant 16 : i32
      %dma_start3A_47 = arith.constant 0 : i32
      %dma_start3A_48 = tpu.memref_slice %arg6[%dma_start3A_46, %dma_start3A_47] : memref<64x128xf32, #tpu.memory_space<vmem>> -> memref<8x128xf32, #tpu.memory_space<vmem>>
      tpu.enqueue_dma source(%dma_start3A_48 : memref<8x128xf32, #tpu.memory_space<vmem>>) target(%dma_start3A_45 : memref<8x128xf32, #tpu.memory_space<hbm>>) target_semaphore(%run_scoped3A : memref<!tpu.dma_semaphore, #tpu.memory_space<semaphore_mem>>)
      %dma_wait3A_49 = arith.constant 16 : i32
      %dma_wait3A_50 = arith.constant 0 : i32
      %dma_wait3A_51 = tpu.memref_slice %arg6[%dma_wait3A_49, %dma_wait3A_50] : memref<64x128xf32, #tpu.memory_space<vmem>> -> memref<8x128xf32, #tpu.memory_space<vmem>>
      %dma_wait3A_52 = arith.constant 0 : i32
      %dma_wait3A_53 = tpu.memref_slice %arg4[%add3A_18, %dma_wait3A_52] : memref<2048x128xf32, #tpu.memory_space<hbm>> -> memref<8x128xf32, #tpu.memory_space<hbm>>
      %dma_wait3A_54 = arith.constant 0 : i32
      %dma_wait3A_55 = tpu.memref_slice %arg4[%add3A_18, %dma_wait3A_54] : memref<2048x128xf32, #tpu.memory_space<hbm>> -> memref<8x128xf32, #tpu.memory_space<hbm>>
      %dma_wait3A_56 = arith.constant 16 : i32
      %dma_wait3A_57 = arith.constant 0 : i32
      %dma_wait3A_58 = tpu.memref_slice %arg6[%dma_wait3A_56, %dma_wait3A_57] : memref<64x128xf32, #tpu.memory_space<vmem>> -> memref<8x128xf32, #tpu.memory_space<vmem>>
      tpu.wait_dma2 semaphore(%run_scoped3A : memref<!tpu.dma_semaphore, #tpu.memory_space<semaphore_mem>>) src(%dma_wait3A_58 : memref<8x128xf32, #tpu.memory_space<vmem>>) dst(%dma_wait3A_55 : memref<8x128xf32, #tpu.memory_space<hbm>>)
      tpu.yield
    }) : () -> ()
    %mul3A_19 = arith.constant 8 : i32
    %mul3A_20 = arith.muli %add3A, %mul3A_19 : i32
    %add3A_21 = arith.constant 768 : i32
    %add3A_22 = arith.addi %add3A_21, %mul3A_20 : i32
    "tpu.region"() ({
      %run_scoped3A = tpu.sem_alloc : memref<!tpu.dma_semaphore, #tpu.memory_space<semaphore_mem>>
      %dma_start3A_39 = arith.constant 24 : i32
      %dma_start3A_40 = arith.constant 0 : i32
      %dma_start3A_41 = tpu.memref_slice %arg6[%dma_start3A_39, %dma_start3A_40] : memref<64x128xf32, #tpu.memory_space<vmem>> -> memref<8x128xf32, #tpu.memory_space<vmem>>
      %dma_start3A_42 = arith.constant 0 : i32
      %dma_start3A_43 = tpu.memref_slice %arg4[%add3A_22, %dma_start3A_42] : memref<2048x128xf32, #tpu.memory_space<hbm>> -> memref<8x128xf32, #tpu.memory_space<hbm>>
      %dma_start3A_44 = arith.constant 0 : i32
      %dma_start3A_45 = tpu.memref_slice %arg4[%add3A_22, %dma_start3A_44] : memref<2048x128xf32, #tpu.memory_space<hbm>> -> memref<8x128xf32, #tpu.memory_space<hbm>>
      %dma_start3A_46 = arith.constant 24 : i32
      %dma_start3A_47 = arith.constant 0 : i32
      %dma_start3A_48 = tpu.memref_slice %arg6[%dma_start3A_46, %dma_start3A_47] : memref<64x128xf32, #tpu.memory_space<vmem>> -> memref<8x128xf32, #tpu.memory_space<vmem>>
      tpu.enqueue_dma source(%dma_start3A_48 : memref<8x128xf32, #tpu.memory_space<vmem>>) target(%dma_start3A_45 : memref<8x128xf32, #tpu.memory_space<hbm>>) target_semaphore(%run_scoped3A : memref<!tpu.dma_semaphore, #tpu.memory_space<semaphore_mem>>)
      %dma_wait3A_49 = arith.constant 24 : i32
      %dma_wait3A_50 = arith.constant 0 : i32
      %dma_wait3A_51 = tpu.memref_slice %arg6[%dma_wait3A_49, %dma_wait3A_50] : memref<64x128xf32, #tpu.memory_space<vmem>> -> memref<8x128xf32, #tpu.memory_space<vmem>>
      %dma_wait3A_52 = arith.constant 0 : i32
      %dma_wait3A_53 = tpu.memref_slice %arg4[%add3A_22, %dma_wait3A_52] : memref<2048x128xf32, #tpu.memory_space<hbm>> -> memref<8x128xf32, #tpu.memory_space<hbm>>
      %dma_wait3A_54 = arith.constant 0 : i32
      %dma_wait3A_55 = tpu.memref_slice %arg4[%add3A_22, %dma_wait3A_54] : memref<2048x128xf32, #tpu.memory_space<hbm>> -> memref<8x128xf32, #tpu.memory_space<hbm>>
      %dma_wait3A_56 = arith.constant 24 : i32
      %dma_wait3A_57 = arith.constant 0 : i32
      %dma_wait3A_58 = tpu.memref_slice %arg6[%dma_wait3A_56, %dma_wait3A_57] : memref<64x128xf32, #tpu.memory_space<vmem>> -> memref<8x128xf32, #tpu.memory_space<vmem>>
      tpu.wait_dma2 semaphore(%run_scoped3A : memref<!tpu.dma_semaphore, #tpu.memory_space<semaphore_mem>>) src(%dma_wait3A_58 : memref<8x128xf32, #tpu.memory_space<vmem>>) dst(%dma_wait3A_55 : memref<8x128xf32, #tpu.memory_space<hbm>>)
      tpu.yield
    }) : () -> ()
    %mul3A_23 = arith.constant 8 : i32
    %mul3A_24 = arith.muli %add3A, %mul3A_23 : i32
    %add3A_25 = arith.constant 1024 : i32
    %add3A_26 = arith.addi %add3A_25, %mul3A_24 : i32
    "tpu.region"() ({
      %run_scoped3A = tpu.sem_alloc : memref<!tpu.dma_semaphore, #tpu.memory_space<semaphore_mem>>
      %dma_start3A_39 = arith.constant 32 : i32
      %dma_start3A_40 = arith.constant 0 : i32
      %dma_start3A_41 = tpu.memref_slice %arg6[%dma_start3A_39, %dma_start3A_40] : memref<64x128xf32, #tpu.memory_space<vmem>> -> memref<8x128xf32, #tpu.memory_space<vmem>>
      %dma_start3A_42 = arith.constant 0 : i32
      %dma_start3A_43 = tpu.memref_slice %arg4[%add3A_26, %dma_start3A_42] : memref<2048x128xf32, #tpu.memory_space<hbm>> -> memref<8x128xf32, #tpu.memory_space<hbm>>
      %dma_start3A_44 = arith.constant 0 : i32
      %dma_start3A_45 = tpu.memref_slice %arg4[%add3A_26, %dma_start3A_44] : memref<2048x128xf32, #tpu.memory_space<hbm>> -> memref<8x128xf32, #tpu.memory_space<hbm>>
      %dma_start3A_46 = arith.constant 32 : i32
      %dma_start3A_47 = arith.constant 0 : i32
      %dma_start3A_48 = tpu.memref_slice %arg6[%dma_start3A_46, %dma_start3A_47] : memref<64x128xf32, #tpu.memory_space<vmem>> -> memref<8x128xf32, #tpu.memory_space<vmem>>
      tpu.enqueue_dma source(%dma_start3A_48 : memref<8x128xf32, #tpu.memory_space<vmem>>) target(%dma_start3A_45 : memref<8x128xf32, #tpu.memory_space<hbm>>) target_semaphore(%run_scoped3A : memref<!tpu.dma_semaphore, #tpu.memory_space<semaphore_mem>>)
      %dma_wait3A_49 = arith.constant 32 : i32
      %dma_wait3A_50 = arith.constant 0 : i32
      %dma_wait3A_51 = tpu.memref_slice %arg6[%dma_wait3A_49, %dma_wait3A_50] : memref<64x128xf32, #tpu.memory_space<vmem>> -> memref<8x128xf32, #tpu.memory_space<vmem>>
      %dma_wait3A_52 = arith.constant 0 : i32
      %dma_wait3A_53 = tpu.memref_slice %arg4[%add3A_26, %dma_wait3A_52] : memref<2048x128xf32, #tpu.memory_space<hbm>> -> memref<8x128xf32, #tpu.memory_space<hbm>>
      %dma_wait3A_54 = arith.constant 0 : i32
      %dma_wait3A_55 = tpu.memref_slice %arg4[%add3A_26, %dma_wait3A_54] : memref<2048x128xf32, #tpu.memory_space<hbm>> -> memref<8x128xf32, #tpu.memory_space<hbm>>
      %dma_wait3A_56 = arith.constant 32 : i32
      %dma_wait3A_57 = arith.constant 0 : i32
      %dma_wait3A_58 = tpu.memref_slice %arg6[%dma_wait3A_56, %dma_wait3A_57] : memref<64x128xf32, #tpu.memory_space<vmem>> -> memref<8x128xf32, #tpu.memory_space<vmem>>
      tpu.wait_dma2 semaphore(%run_scoped3A : memref<!tpu.dma_semaphore, #tpu.memory_space<semaphore_mem>>) src(%dma_wait3A_58 : memref<8x128xf32, #tpu.memory_space<vmem>>) dst(%dma_wait3A_55 : memref<8x128xf32, #tpu.memory_space<hbm>>)
      tpu.yield
    }) : () -> ()
    %mul3A_27 = arith.constant 8 : i32
    %mul3A_28 = arith.muli %add3A, %mul3A_27 : i32
    %add3A_29 = arith.constant 1280 : i32
    %add3A_30 = arith.addi %add3A_29, %mul3A_28 : i32
    "tpu.region"() ({
      %run_scoped3A = tpu.sem_alloc : memref<!tpu.dma_semaphore, #tpu.memory_space<semaphore_mem>>
      %dma_start3A_39 = arith.constant 40 : i32
      %dma_start3A_40 = arith.constant 0 : i32
      %dma_start3A_41 = tpu.memref_slice %arg6[%dma_start3A_39, %dma_start3A_40] : memref<64x128xf32, #tpu.memory_space<vmem>> -> memref<8x128xf32, #tpu.memory_space<vmem>>
      %dma_start3A_42 = arith.constant 0 : i32
      %dma_start3A_43 = tpu.memref_slice %arg4[%add3A_30, %dma_start3A_42] : memref<2048x128xf32, #tpu.memory_space<hbm>> -> memref<8x128xf32, #tpu.memory_space<hbm>>
      %dma_start3A_44 = arith.constant 0 : i32
      %dma_start3A_45 = tpu.memref_slice %arg4[%add3A_30, %dma_start3A_44] : memref<2048x128xf32, #tpu.memory_space<hbm>> -> memref<8x128xf32, #tpu.memory_space<hbm>>
      %dma_start3A_46 = arith.constant 40 : i32
      %dma_start3A_47 = arith.constant 0 : i32
      %dma_start3A_48 = tpu.memref_slice %arg6[%dma_start3A_46, %dma_start3A_47] : memref<64x128xf32, #tpu.memory_space<vmem>> -> memref<8x128xf32, #tpu.memory_space<vmem>>
      tpu.enqueue_dma source(%dma_start3A_48 : memref<8x128xf32, #tpu.memory_space<vmem>>) target(%dma_start3A_45 : memref<8x128xf32, #tpu.memory_space<hbm>>) target_semaphore(%run_scoped3A : memref<!tpu.dma_semaphore, #tpu.memory_space<semaphore_mem>>)
      %dma_wait3A_49 = arith.constant 40 : i32
      %dma_wait3A_50 = arith.constant 0 : i32
      %dma_wait3A_51 = tpu.memref_slice %arg6[%dma_wait3A_49, %dma_wait3A_50] : memref<64x128xf32, #tpu.memory_space<vmem>> -> memref<8x128xf32, #tpu.memory_space<vmem>>
      %dma_wait3A_52 = arith.constant 0 : i32
      %dma_wait3A_53 = tpu.memref_slice %arg4[%add3A_30, %dma_wait3A_52] : memref<2048x128xf32, #tpu.memory_space<hbm>> -> memref<8x128xf32, #tpu.memory_space<hbm>>
      %dma_wait3A_54 = arith.constant 0 : i32
      %dma_wait3A_55 = tpu.memref_slice %arg4[%add3A_30, %dma_wait3A_54] : memref<2048x128xf32, #tpu.memory_space<hbm>> -> memref<8x128xf32, #tpu.memory_space<hbm>>
      %dma_wait3A_56 = arith.constant 40 : i32
      %dma_wait3A_57 = arith.constant 0 : i32
      %dma_wait3A_58 = tpu.memref_slice %arg6[%dma_wait3A_56, %dma_wait3A_57] : memref<64x128xf32, #tpu.memory_space<vmem>> -> memref<8x128xf32, #tpu.memory_space<vmem>>
      tpu.wait_dma2 semaphore(%run_scoped3A : memref<!tpu.dma_semaphore, #tpu.memory_space<semaphore_mem>>) src(%dma_wait3A_58 : memref<8x128xf32, #tpu.memory_space<vmem>>) dst(%dma_wait3A_55 : memref<8x128xf32, #tpu.memory_space<hbm>>)
      tpu.yield
    }) : () -> ()
    %mul3A_31 = arith.constant 8 : i32
    %mul3A_32 = arith.muli %add3A, %mul3A_31 : i32
    %add3A_33 = arith.constant 1536 : i32
    %add3A_34 = arith.addi %add3A_33, %mul3A_32 : i32
    "tpu.region"() ({
      %run_scoped3A = tpu.sem_alloc : memref<!tpu.dma_semaphore, #tpu.memory_space<semaphore_mem>>
      %dma_start3A_39 = arith.constant 48 : i32
      %dma_start3A_40 = arith.constant 0 : i32
      %dma_start3A_41 = tpu.memref_slice %arg6[%dma_start3A_39, %dma_start3A_40] : memref<64x128xf32, #tpu.memory_space<vmem>> -> memref<8x128xf32, #tpu.memory_space<vmem>>
      %dma_start3A_42 = arith.constant 0 : i32
      %dma_start3A_43 = tpu.memref_slice %arg4[%add3A_34, %dma_start3A_42] : memref<2048x128xf32, #tpu.memory_space<hbm>> -> memref<8x128xf32, #tpu.memory_space<hbm>>
      %dma_start3A_44 = arith.constant 0 : i32
      %dma_start3A_45 = tpu.memref_slice %arg4[%add3A_34, %dma_start3A_44] : memref<2048x128xf32, #tpu.memory_space<hbm>> -> memref<8x128xf32, #tpu.memory_space<hbm>>
      %dma_start3A_46 = arith.constant 48 : i32
      %dma_start3A_47 = arith.constant 0 : i32
      %dma_start3A_48 = tpu.memref_slice %arg6[%dma_start3A_46, %dma_start3A_47] : memref<64x128xf32, #tpu.memory_space<vmem>> -> memref<8x128xf32, #tpu.memory_space<vmem>>
      tpu.enqueue_dma source(%dma_start3A_48 : memref<8x128xf32, #tpu.memory_space<vmem>>) target(%dma_start3A_45 : memref<8x128xf32, #tpu.memory_space<hbm>>) target_semaphore(%run_scoped3A : memref<!tpu.dma_semaphore, #tpu.memory_space<semaphore_mem>>)
      %dma_wait3A_49 = arith.constant 48 : i32
      %dma_wait3A_50 = arith.constant 0 : i32
      %dma_wait3A_51 = tpu.memref_slice %arg6[%dma_wait3A_49, %dma_wait3A_50] : memref<64x128xf32, #tpu.memory_space<vmem>> -> memref<8x128xf32, #tpu.memory_space<vmem>>
      %dma_wait3A_52 = arith.constant 0 : i32
      %dma_wait3A_53 = tpu.memref_slice %arg4[%add3A_34, %dma_wait3A_52] : memref<2048x128xf32, #tpu.memory_space<hbm>> -> memref<8x128xf32, #tpu.memory_space<hbm>>
      %dma_wait3A_54 = arith.constant 0 : i32
      %dma_wait3A_55 = tpu.memref_slice %arg4[%add3A_34, %dma_wait3A_54] : memref<2048x128xf32, #tpu.memory_space<hbm>> -> memref<8x128xf32, #tpu.memory_space<hbm>>
      %dma_wait3A_56 = arith.constant 48 : i32
      %dma_wait3A_57 = arith.constant 0 : i32
      %dma_wait3A_58 = tpu.memref_slice %arg6[%dma_wait3A_56, %dma_wait3A_57] : memref<64x128xf32, #tpu.memory_space<vmem>> -> memref<8x128xf32, #tpu.memory_space<vmem>>
      tpu.wait_dma2 semaphore(%run_scoped3A : memref<!tpu.dma_semaphore, #tpu.memory_space<semaphore_mem>>) src(%dma_wait3A_58 : memref<8x128xf32, #tpu.memory_space<vmem>>) dst(%dma_wait3A_55 : memref<8x128xf32, #tpu.memory_space<hbm>>)
      tpu.yield
    }) : () -> ()
    %mul3A_35 = arith.constant 8 : i32
    %mul3A_36 = arith.muli %add3A, %mul3A_35 : i32
    %add3A_37 = arith.constant 1792 : i32
    %add3A_38 = arith.addi %add3A_37, %mul3A_36 : i32
    "tpu.region"() ({
      %run_scoped3A = tpu.sem_alloc : memref<!tpu.dma_semaphore, #tpu.memory_space<semaphore_mem>>
      %dma_start3A_39 = arith.constant 56 : i32
      %dma_start3A_40 = arith.constant 0 : i32
      %dma_start3A_41 = tpu.memref_slice %arg6[%dma_start3A_39, %dma_start3A_40] : memref<64x128xf32, #tpu.memory_space<vmem>> -> memref<8x128xf32, #tpu.memory_space<vmem>>
      %dma_start3A_42 = arith.constant 0 : i32
      %dma_start3A_43 = tpu.memref_slice %arg4[%add3A_38, %dma_start3A_42] : memref<2048x128xf32, #tpu.memory_space<hbm>> -> memref<8x128xf32, #tpu.memory_space<hbm>>
      %dma_start3A_44 = arith.constant 0 : i32
      %dma_start3A_45 = tpu.memref_slice %arg4[%add3A_38, %dma_start3A_44] : memref<2048x128xf32, #tpu.memory_space<hbm>> -> memref<8x128xf32, #tpu.memory_space<hbm>>
      %dma_start3A_46 = arith.constant 56 : i32
      %dma_start3A_47 = arith.constant 0 : i32
      %dma_start3A_48 = tpu.memref_slice %arg6[%dma_start3A_46, %dma_start3A_47] : memref<64x128xf32, #tpu.memory_space<vmem>> -> memref<8x128xf32, #tpu.memory_space<vmem>>
      tpu.enqueue_dma source(%dma_start3A_48 : memref<8x128xf32, #tpu.memory_space<vmem>>) target(%dma_start3A_45 : memref<8x128xf32, #tpu.memory_space<hbm>>) target_semaphore(%run_scoped3A : memref<!tpu.dma_semaphore, #tpu.memory_space<semaphore_mem>>)
      %dma_wait3A_49 = arith.constant 56 : i32
      %dma_wait3A_50 = arith.constant 0 : i32
      %dma_wait3A_51 = tpu.memref_slice %arg6[%dma_wait3A_49, %dma_wait3A_50] : memref<64x128xf32, #tpu.memory_space<vmem>> -> memref<8x128xf32, #tpu.memory_space<vmem>>
      %dma_wait3A_52 = arith.constant 0 : i32
      %dma_wait3A_53 = tpu.memref_slice %arg4[%add3A_38, %dma_wait3A_52] : memref<2048x128xf32, #tpu.memory_space<hbm>> -> memref<8x128xf32, #tpu.memory_space<hbm>>
      %dma_wait3A_54 = arith.constant 0 : i32
      %dma_wait3A_55 = tpu.memref_slice %arg4[%add3A_38, %dma_wait3A_54] : memref<2048x128xf32, #tpu.memory_space<hbm>> -> memref<8x128xf32, #tpu.memory_space<hbm>>
      %dma_wait3A_56 = arith.constant 56 : i32
      %dma_wait3A_57 = arith.constant 0 : i32
      %dma_wait3A_58 = tpu.memref_slice %arg6[%dma_wait3A_56, %dma_wait3A_57] : memref<64x128xf32, #tpu.memory_space<vmem>> -> memref<8x128xf32, #tpu.memory_space<vmem>>
      tpu.wait_dma2 semaphore(%run_scoped3A : memref<!tpu.dma_semaphore, #tpu.memory_space<semaphore_mem>>) src(%dma_wait3A_58 : memref<8x128xf32, #tpu.memory_space<vmem>>) dst(%dma_wait3A_55 : memref<8x128xf32, #tpu.memory_space<hbm>>)
      tpu.yield
    }) : () -> ()
    return
  }
}

module attributes {stable_mosaic.version = 14 : i64} {
  func.func @_knn_body(%arg0: i32, %arg1: memref<1x64x512xf32, #tpu.memory_space<vmem>>, %arg2: memref<1x8x64xf32, #tpu.memory_space<vmem>>, %arg3: memref<1x2048x512xf32, #tpu.memory_space<vmem>>, %arg4: memref<1x8x2048xf32, #tpu.memory_space<vmem>>, %arg5: memref<1x8x8xf32, #tpu.memory_space<vmem>>, %arg6: memref<1x8x8xi32, #tpu.memory_space<vmem>>) attributes {dimension_semantics = [#tpu.dimension_semantics<arbitrary>], iteration_bounds = array<i64: 32>, scalar_prefetch = 0 : i64, scratch_operands = 0 : i64, tpu.core_type = #tpu.core_type<tc>, window_params = [{transform_indices = @transform_0, window_bounds = array<i64: 1, 64, 512>}, {transform_indices = @transform_1, window_bounds = array<i64: 1, 8, 64>}, {transform_indices = @transform_2, window_bounds = array<i64: 1, 2048, 512>}, {transform_indices = @transform_3, window_bounds = array<i64: 1, 8, 2048>}, {transform_indices = @transform_4, window_bounds = array<i64: 1, 8, 8>}, {transform_indices = @transform_5, window_bounds = array<i64: 1, 8, 8>}]} {
    %get3A = arith.constant 0 : index
    %get3A_0 = arith.constant 0 : index
    %get3A_1 = arith.constant 0 : index
    %get3A_2 = vector.load %arg1[%get3A, %get3A_0, %get3A_1] : memref<1x64x512xf32, #tpu.memory_space<vmem>>, vector<1x64x512xf32>
    %get3A_3 = vector.shape_cast %get3A_2 : vector<1x64x512xf32> to vector<64x512xf32>
    %get3A_4 = arith.constant 0 : index
    %get3A_5 = arith.constant 0 : index
    %get3A_6 = arith.constant 0 : index
    %get3A_7 = vector.load %arg3[%get3A_4, %get3A_5, %get3A_6] : memref<1x2048x512xf32, #tpu.memory_space<vmem>>, vector<1x2048x512xf32>
    %get3A_8 = vector.shape_cast %get3A_7 : vector<1x2048x512xf32> to vector<2048x512xf32>
    %get3A_9 = arith.constant 0 : index
    %get3A_10 = arith.constant 0 : index
    %get3A_11 = arith.constant 0 : index
    %get3A_12 = vector.load %arg2[%get3A_9, %get3A_10, %get3A_11] : memref<1x8x64xf32, #tpu.memory_space<vmem>>, vector<1x8x64xf32>
    %get3A_13 = vector.shape_cast %get3A_12 : vector<1x8x64xf32> to vector<8x64xf32>
    %get3A_14 = arith.constant 0 : index
    %get3A_15 = arith.constant 0 : index
    %get3A_16 = arith.constant 0 : index
    %get3A_17 = vector.load %arg4[%get3A_14, %get3A_15, %get3A_16] : memref<1x8x2048xf32, #tpu.memory_space<vmem>>, vector<1x8x2048xf32>
    %get3A_18 = vector.shape_cast %get3A_17 : vector<1x8x2048xf32> to vector<8x2048xf32>
    %mul3A = arith.mulf %get3A_13, %get3A_13 : vector<8x64xf32>
    %reduce_sum3A = arith.constant dense<0.000000e+00> : vector<8xf32>
    %reduce_sum3A_19 = vector.multi_reduction <add>, %mul3A, %reduce_sum3A [1] : vector<8x64xf32> to vector<8xf32>
    %broadcast_in_dim3A = vector.shape_cast %reduce_sum3A_19 : vector<8xf32> to vector<8x1xf32>
    %convert_element_type3A = arith.truncf %get3A_3 : vector<64x512xf32> to vector<64x512xbf16>
    %convert_element_type3A_20 = arith.truncf %get3A_8 : vector<2048x512xf32> to vector<2048x512xbf16>
    %dot_general3A = arith.constant dense<0.000000e+00> : vector<64x2048xf32>
    %dot_general3A_21 = tpu.matmul %convert_element_type3A, %convert_element_type3A_20, %dot_general3A {dimension_numbers = #tpu.dot_dimension_numbers<[1], [1], [0], [0], [0, 0, 1, 0], [], []>, transpose_lhs_hint = false} : vector<64x512xbf16>, vector<2048x512xbf16>, vector<64x2048xf32> -> vector<64x2048xf32>
    %concatenate3A = tpu.concatenate %get3A_18, %get3A_18, %get3A_18, %get3A_18, %get3A_18, %get3A_18, %get3A_18, %get3A_18 in 0 : vector<8x2048xf32>, vector<8x2048xf32>, vector<8x2048xf32>, vector<8x2048xf32>, vector<8x2048xf32>, vector<8x2048xf32>, vector<8x2048xf32>, vector<8x2048xf32> -> vector<64x2048xf32>
    %broadcast_in_dim3A_22 = vector.shape_cast %broadcast_in_dim3A : vector<8x1xf32> to vector<8x1x1xf32>
    %broadcast_in_dim3A_23 = vector.shape_cast %broadcast_in_dim3A_22 : vector<8x1x1xf32> to vector<8x1x1xf32>
    %broadcast_in_dim3A_24 = vector.broadcast %broadcast_in_dim3A_23 : vector<8x1x1xf32> to vector<8x8x1xf32>
    %reshape3A = vector.shape_cast %broadcast_in_dim3A_24 : vector<8x8x1xf32> to vector<64x1xf32>
    %add3A = vector.broadcast %reshape3A : vector<64x1xf32> to vector<64x2048xf32>
    %add3A_25 = arith.addf %add3A, %concatenate3A : vector<64x2048xf32>
    %mul3A_26 = arith.constant 2.000000e+00 : f32
    %mul3A_27 = vector.broadcast %mul3A_26 : f32 to vector<64x2048xf32>
    %mul3A_28 = arith.mulf %mul3A_27, %dot_general3A_21 : vector<64x2048xf32>
    %sub3A = arith.subf %add3A_25, %mul3A_28 : vector<64x2048xf32>
    %reshape3A_29 = vector.shape_cast %sub3A : vector<64x2048xf32> to vector<8x8x2048xf32>
    %iota3A = tpu.iota {dimensions = array<i32: 2>} : vector<8x8x2048xi32>
    %iota3A_30 = tpu.iota {dimensions = array<i32: 1>} : vector<8x8x2048xi32>
    %mul3A_31 = arith.constant 8 : i32
    %mul3A_32 = vector.broadcast %mul3A_31 : i32 to vector<8x8x2048xi32>
    %mul3A_33 = arith.muli %iota3A, %mul3A_32 : vector<8x8x2048xi32>
    %add3A_34 = arith.addi %mul3A_33, %iota3A_30 : vector<8x8x2048xi32>
    %reduce_min3A = arith.constant dense<0x7F800000> : vector<8x8xf32>
    %reduce_min3A_35 = vector.multi_reduction <minimumf>, %reshape3A_29, %reduce_min3A [2] : vector<8x8x2048xf32> to vector<8x8xf32>
    %broadcast_in_dim3A_36 = vector.shape_cast %reduce_min3A_35 : vector<8x8xf32> to vector<8x8x1xf32>
    %reduce_min3A_37 = arith.constant dense<0x7F800000> : vector<8x1xf32>
    %reduce_min3A_38 = vector.multi_reduction <minimumf>, %broadcast_in_dim3A_36, %reduce_min3A_37 [1] : vector<8x8x1xf32> to vector<8x1xf32>
    %broadcast_in_dim3A_39 = vector.shape_cast %reduce_min3A_38 : vector<8x1xf32> to vector<8x1x1xf32>
    %eq3A = vector.broadcast %broadcast_in_dim3A_39 : vector<8x1x1xf32> to vector<8x8x2048xf32>
    %eq3A_40 = arith.cmpf oeq, %reshape3A_29, %eq3A : vector<8x8x2048xf32>
    %jit3A = arith.constant 16384 : i32
    %broadcast_in_dim3A_41 = vector.broadcast %jit3A : i32 to vector<8x8x2048xi32>
    %select_n3A = arith.select %eq3A_40, %add3A_34, %broadcast_in_dim3A_41 : vector<8x8x2048xi1>, vector<8x8x2048xi32>
    %reduce_min3A_42 = arith.constant dense<2147483647> : vector<8x8xi32>
    %reduce_min3A_43 = vector.multi_reduction <minsi>, %select_n3A, %reduce_min3A_42 [2] : vector<8x8x2048xi32> to vector<8x8xi32>
    %broadcast_in_dim3A_44 = vector.shape_cast %reduce_min3A_43 : vector<8x8xi32> to vector<8x8x1xi32>
    %reduce_min3A_45 = arith.constant dense<2147483647> : vector<8x1xi32>
    %reduce_min3A_46 = vector.multi_reduction <minsi>, %broadcast_in_dim3A_44, %reduce_min3A_45 [1] : vector<8x8x1xi32> to vector<8x1xi32>
    %broadcast_in_dim3A_47 = vector.shape_cast %reduce_min3A_46 : vector<8x1xi32> to vector<8x1x1xi32>
    %reshape3A_48 = vector.shape_cast %broadcast_in_dim3A_39 : vector<8x1x1xf32> to vector<8x1xf32>
    %reshape3A_49 = vector.shape_cast %broadcast_in_dim3A_47 : vector<8x1x1xi32> to vector<8x1xi32>
    %eq3A_50 = vector.broadcast %broadcast_in_dim3A_47 : vector<8x1x1xi32> to vector<8x8x2048xi32>
    %eq3A_51 = arith.cmpi eq, %select_n3A, %eq3A_50 : vector<8x8x2048xi32>
    %jit3A_52 = arith.constant 0x7F800000 : f32
    %broadcast_in_dim3A_53 = vector.broadcast %jit3A_52 : f32 to vector<8x8x2048xf32>
    %select_n3A_54 = arith.select %eq3A_51, %broadcast_in_dim3A_53, %reshape3A_29 : vector<8x8x2048xi1>, vector<8x8x2048xf32>
    %reduce_min3A_55 = arith.constant dense<0x7F800000> : vector<8x8xf32>
    %reduce_min3A_56 = vector.multi_reduction <minimumf>, %select_n3A_54, %reduce_min3A_55 [2] : vector<8x8x2048xf32> to vector<8x8xf32>
    %broadcast_in_dim3A_57 = vector.shape_cast %reduce_min3A_56 : vector<8x8xf32> to vector<8x8x1xf32>
    %reduce_min3A_58 = arith.constant dense<0x7F800000> : vector<8x1xf32>
    %reduce_min3A_59 = vector.multi_reduction <minimumf>, %broadcast_in_dim3A_57, %reduce_min3A_58 [1] : vector<8x8x1xf32> to vector<8x1xf32>
    %broadcast_in_dim3A_60 = vector.shape_cast %reduce_min3A_59 : vector<8x1xf32> to vector<8x1x1xf32>
    %eq3A_61 = vector.broadcast %broadcast_in_dim3A_60 : vector<8x1x1xf32> to vector<8x8x2048xf32>
    %eq3A_62 = arith.cmpf oeq, %select_n3A_54, %eq3A_61 : vector<8x8x2048xf32>
    %jit3A_63 = arith.constant 16384 : i32
    %broadcast_in_dim3A_64 = vector.broadcast %jit3A_63 : i32 to vector<8x8x2048xi32>
    %select_n3A_65 = arith.select %eq3A_62, %add3A_34, %broadcast_in_dim3A_64 : vector<8x8x2048xi1>, vector<8x8x2048xi32>
    %reduce_min3A_66 = arith.constant dense<2147483647> : vector<8x8xi32>
    %reduce_min3A_67 = vector.multi_reduction <minsi>, %select_n3A_65, %reduce_min3A_66 [2] : vector<8x8x2048xi32> to vector<8x8xi32>
    %broadcast_in_dim3A_68 = vector.shape_cast %reduce_min3A_67 : vector<8x8xi32> to vector<8x8x1xi32>
    %reduce_min3A_69 = arith.constant dense<2147483647> : vector<8x1xi32>
    %reduce_min3A_70 = vector.multi_reduction <minsi>, %broadcast_in_dim3A_68, %reduce_min3A_69 [1] : vector<8x8x1xi32> to vector<8x1xi32>
    %broadcast_in_dim3A_71 = vector.shape_cast %reduce_min3A_70 : vector<8x1xi32> to vector<8x1x1xi32>
    %reshape3A_72 = vector.shape_cast %broadcast_in_dim3A_60 : vector<8x1x1xf32> to vector<8x1xf32>
    %reshape3A_73 = vector.shape_cast %broadcast_in_dim3A_71 : vector<8x1x1xi32> to vector<8x1xi32>
    %eq3A_74 = vector.broadcast %broadcast_in_dim3A_71 : vector<8x1x1xi32> to vector<8x8x2048xi32>
    %eq3A_75 = arith.cmpi eq, %select_n3A_65, %eq3A_74 : vector<8x8x2048xi32>
    %jit3A_76 = arith.constant 0x7F800000 : f32
    %broadcast_in_dim3A_77 = vector.broadcast %jit3A_76 : f32 to vector<8x8x2048xf32>
    %select_n3A_78 = arith.select %eq3A_75, %broadcast_in_dim3A_77, %select_n3A_54 : vector<8x8x2048xi1>, vector<8x8x2048xf32>
    %reduce_min3A_79 = arith.constant dense<0x7F800000> : vector<8x8xf32>
    %reduce_min3A_80 = vector.multi_reduction <minimumf>, %select_n3A_78, %reduce_min3A_79 [2] : vector<8x8x2048xf32> to vector<8x8xf32>
    %broadcast_in_dim3A_81 = vector.shape_cast %reduce_min3A_80 : vector<8x8xf32> to vector<8x8x1xf32>
    %reduce_min3A_82 = arith.constant dense<0x7F800000> : vector<8x1xf32>
    %reduce_min3A_83 = vector.multi_reduction <minimumf>, %broadcast_in_dim3A_81, %reduce_min3A_82 [1] : vector<8x8x1xf32> to vector<8x1xf32>
    %broadcast_in_dim3A_84 = vector.shape_cast %reduce_min3A_83 : vector<8x1xf32> to vector<8x1x1xf32>
    %eq3A_85 = vector.broadcast %broadcast_in_dim3A_84 : vector<8x1x1xf32> to vector<8x8x2048xf32>
    %eq3A_86 = arith.cmpf oeq, %select_n3A_78, %eq3A_85 : vector<8x8x2048xf32>
    %jit3A_87 = arith.constant 16384 : i32
    %broadcast_in_dim3A_88 = vector.broadcast %jit3A_87 : i32 to vector<8x8x2048xi32>
    %select_n3A_89 = arith.select %eq3A_86, %add3A_34, %broadcast_in_dim3A_88 : vector<8x8x2048xi1>, vector<8x8x2048xi32>
    %reduce_min3A_90 = arith.constant dense<2147483647> : vector<8x8xi32>
    %reduce_min3A_91 = vector.multi_reduction <minsi>, %select_n3A_89, %reduce_min3A_90 [2] : vector<8x8x2048xi32> to vector<8x8xi32>
    %broadcast_in_dim3A_92 = vector.shape_cast %reduce_min3A_91 : vector<8x8xi32> to vector<8x8x1xi32>
    %reduce_min3A_93 = arith.constant dense<2147483647> : vector<8x1xi32>
    %reduce_min3A_94 = vector.multi_reduction <minsi>, %broadcast_in_dim3A_92, %reduce_min3A_93 [1] : vector<8x8x1xi32> to vector<8x1xi32>
    %broadcast_in_dim3A_95 = vector.shape_cast %reduce_min3A_94 : vector<8x1xi32> to vector<8x1x1xi32>
    %reshape3A_96 = vector.shape_cast %broadcast_in_dim3A_84 : vector<8x1x1xf32> to vector<8x1xf32>
    %reshape3A_97 = vector.shape_cast %broadcast_in_dim3A_95 : vector<8x1x1xi32> to vector<8x1xi32>
    %eq3A_98 = vector.broadcast %broadcast_in_dim3A_95 : vector<8x1x1xi32> to vector<8x8x2048xi32>
    %eq3A_99 = arith.cmpi eq, %select_n3A_89, %eq3A_98 : vector<8x8x2048xi32>
    %jit3A_100 = arith.constant 0x7F800000 : f32
    %broadcast_in_dim3A_101 = vector.broadcast %jit3A_100 : f32 to vector<8x8x2048xf32>
    %select_n3A_102 = arith.select %eq3A_99, %broadcast_in_dim3A_101, %select_n3A_78 : vector<8x8x2048xi1>, vector<8x8x2048xf32>
    %reduce_min3A_103 = arith.constant dense<0x7F800000> : vector<8x8xf32>
    %reduce_min3A_104 = vector.multi_reduction <minimumf>, %select_n3A_102, %reduce_min3A_103 [2] : vector<8x8x2048xf32> to vector<8x8xf32>
    %broadcast_in_dim3A_105 = vector.shape_cast %reduce_min3A_104 : vector<8x8xf32> to vector<8x8x1xf32>
    %reduce_min3A_106 = arith.constant dense<0x7F800000> : vector<8x1xf32>
    %reduce_min3A_107 = vector.multi_reduction <minimumf>, %broadcast_in_dim3A_105, %reduce_min3A_106 [1] : vector<8x8x1xf32> to vector<8x1xf32>
    %broadcast_in_dim3A_108 = vector.shape_cast %reduce_min3A_107 : vector<8x1xf32> to vector<8x1x1xf32>
    %eq3A_109 = vector.broadcast %broadcast_in_dim3A_108 : vector<8x1x1xf32> to vector<8x8x2048xf32>
    %eq3A_110 = arith.cmpf oeq, %select_n3A_102, %eq3A_109 : vector<8x8x2048xf32>
    %jit3A_111 = arith.constant 16384 : i32
    %broadcast_in_dim3A_112 = vector.broadcast %jit3A_111 : i32 to vector<8x8x2048xi32>
    %select_n3A_113 = arith.select %eq3A_110, %add3A_34, %broadcast_in_dim3A_112 : vector<8x8x2048xi1>, vector<8x8x2048xi32>
    %reduce_min3A_114 = arith.constant dense<2147483647> : vector<8x8xi32>
    %reduce_min3A_115 = vector.multi_reduction <minsi>, %select_n3A_113, %reduce_min3A_114 [2] : vector<8x8x2048xi32> to vector<8x8xi32>
    %broadcast_in_dim3A_116 = vector.shape_cast %reduce_min3A_115 : vector<8x8xi32> to vector<8x8x1xi32>
    %reduce_min3A_117 = arith.constant dense<2147483647> : vector<8x1xi32>
    %reduce_min3A_118 = vector.multi_reduction <minsi>, %broadcast_in_dim3A_116, %reduce_min3A_117 [1] : vector<8x8x1xi32> to vector<8x1xi32>
    %broadcast_in_dim3A_119 = vector.shape_cast %reduce_min3A_118 : vector<8x1xi32> to vector<8x1x1xi32>
    %reshape3A_120 = vector.shape_cast %broadcast_in_dim3A_108 : vector<8x1x1xf32> to vector<8x1xf32>
    %reshape3A_121 = vector.shape_cast %broadcast_in_dim3A_119 : vector<8x1x1xi32> to vector<8x1xi32>
    %eq3A_122 = vector.broadcast %broadcast_in_dim3A_119 : vector<8x1x1xi32> to vector<8x8x2048xi32>
    %eq3A_123 = arith.cmpi eq, %select_n3A_113, %eq3A_122 : vector<8x8x2048xi32>
    %jit3A_124 = arith.constant 0x7F800000 : f32
    %broadcast_in_dim3A_125 = vector.broadcast %jit3A_124 : f32 to vector<8x8x2048xf32>
    %select_n3A_126 = arith.select %eq3A_123, %broadcast_in_dim3A_125, %select_n3A_102 : vector<8x8x2048xi1>, vector<8x8x2048xf32>
    %reduce_min3A_127 = arith.constant dense<0x7F800000> : vector<8x8xf32>
    %reduce_min3A_128 = vector.multi_reduction <minimumf>, %select_n3A_126, %reduce_min3A_127 [2] : vector<8x8x2048xf32> to vector<8x8xf32>
    %broadcast_in_dim3A_129 = vector.shape_cast %reduce_min3A_128 : vector<8x8xf32> to vector<8x8x1xf32>
    %reduce_min3A_130 = arith.constant dense<0x7F800000> : vector<8x1xf32>
    %reduce_min3A_131 = vector.multi_reduction <minimumf>, %broadcast_in_dim3A_129, %reduce_min3A_130 [1] : vector<8x8x1xf32> to vector<8x1xf32>
    %broadcast_in_dim3A_132 = vector.shape_cast %reduce_min3A_131 : vector<8x1xf32> to vector<8x1x1xf32>
    %eq3A_133 = vector.broadcast %broadcast_in_dim3A_132 : vector<8x1x1xf32> to vector<8x8x2048xf32>
    %eq3A_134 = arith.cmpf oeq, %select_n3A_126, %eq3A_133 : vector<8x8x2048xf32>
    %jit3A_135 = arith.constant 16384 : i32
    %broadcast_in_dim3A_136 = vector.broadcast %jit3A_135 : i32 to vector<8x8x2048xi32>
    %select_n3A_137 = arith.select %eq3A_134, %add3A_34, %broadcast_in_dim3A_136 : vector<8x8x2048xi1>, vector<8x8x2048xi32>
    %reduce_min3A_138 = arith.constant dense<2147483647> : vector<8x8xi32>
    %reduce_min3A_139 = vector.multi_reduction <minsi>, %select_n3A_137, %reduce_min3A_138 [2] : vector<8x8x2048xi32> to vector<8x8xi32>
    %broadcast_in_dim3A_140 = vector.shape_cast %reduce_min3A_139 : vector<8x8xi32> to vector<8x8x1xi32>
    %reduce_min3A_141 = arith.constant dense<2147483647> : vector<8x1xi32>
    %reduce_min3A_142 = vector.multi_reduction <minsi>, %broadcast_in_dim3A_140, %reduce_min3A_141 [1] : vector<8x8x1xi32> to vector<8x1xi32>
    %broadcast_in_dim3A_143 = vector.shape_cast %reduce_min3A_142 : vector<8x1xi32> to vector<8x1x1xi32>
    %reshape3A_144 = vector.shape_cast %broadcast_in_dim3A_132 : vector<8x1x1xf32> to vector<8x1xf32>
    %reshape3A_145 = vector.shape_cast %broadcast_in_dim3A_143 : vector<8x1x1xi32> to vector<8x1xi32>
    %eq3A_146 = vector.broadcast %broadcast_in_dim3A_143 : vector<8x1x1xi32> to vector<8x8x2048xi32>
    %eq3A_147 = arith.cmpi eq, %select_n3A_137, %eq3A_146 : vector<8x8x2048xi32>
    %jit3A_148 = arith.constant 0x7F800000 : f32
    %broadcast_in_dim3A_149 = vector.broadcast %jit3A_148 : f32 to vector<8x8x2048xf32>
    %select_n3A_150 = arith.select %eq3A_147, %broadcast_in_dim3A_149, %select_n3A_126 : vector<8x8x2048xi1>, vector<8x8x2048xf32>
    %reduce_min3A_151 = arith.constant dense<0x7F800000> : vector<8x8xf32>
    %reduce_min3A_152 = vector.multi_reduction <minimumf>, %select_n3A_150, %reduce_min3A_151 [2] : vector<8x8x2048xf32> to vector<8x8xf32>
    %broadcast_in_dim3A_153 = vector.shape_cast %reduce_min3A_152 : vector<8x8xf32> to vector<8x8x1xf32>
    %reduce_min3A_154 = arith.constant dense<0x7F800000> : vector<8x1xf32>
    %reduce_min3A_155 = vector.multi_reduction <minimumf>, %broadcast_in_dim3A_153, %reduce_min3A_154 [1] : vector<8x8x1xf32> to vector<8x1xf32>
    %broadcast_in_dim3A_156 = vector.shape_cast %reduce_min3A_155 : vector<8x1xf32> to vector<8x1x1xf32>
    %eq3A_157 = vector.broadcast %broadcast_in_dim3A_156 : vector<8x1x1xf32> to vector<8x8x2048xf32>
    %eq3A_158 = arith.cmpf oeq, %select_n3A_150, %eq3A_157 : vector<8x8x2048xf32>
    %jit3A_159 = arith.constant 16384 : i32
    %broadcast_in_dim3A_160 = vector.broadcast %jit3A_159 : i32 to vector<8x8x2048xi32>
    %select_n3A_161 = arith.select %eq3A_158, %add3A_34, %broadcast_in_dim3A_160 : vector<8x8x2048xi1>, vector<8x8x2048xi32>
    %reduce_min3A_162 = arith.constant dense<2147483647> : vector<8x8xi32>
    %reduce_min3A_163 = vector.multi_reduction <minsi>, %select_n3A_161, %reduce_min3A_162 [2] : vector<8x8x2048xi32> to vector<8x8xi32>
    %broadcast_in_dim3A_164 = vector.shape_cast %reduce_min3A_163 : vector<8x8xi32> to vector<8x8x1xi32>
    %reduce_min3A_165 = arith.constant dense<2147483647> : vector<8x1xi32>
    %reduce_min3A_166 = vector.multi_reduction <minsi>, %broadcast_in_dim3A_164, %reduce_min3A_165 [1] : vector<8x8x1xi32> to vector<8x1xi32>
    %broadcast_in_dim3A_167 = vector.shape_cast %reduce_min3A_166 : vector<8x1xi32> to vector<8x1x1xi32>
    %reshape3A_168 = vector.shape_cast %broadcast_in_dim3A_156 : vector<8x1x1xf32> to vector<8x1xf32>
    %reshape3A_169 = vector.shape_cast %broadcast_in_dim3A_167 : vector<8x1x1xi32> to vector<8x1xi32>
    %eq3A_170 = vector.broadcast %broadcast_in_dim3A_167 : vector<8x1x1xi32> to vector<8x8x2048xi32>
    %eq3A_171 = arith.cmpi eq, %select_n3A_161, %eq3A_170 : vector<8x8x2048xi32>
    %jit3A_172 = arith.constant 0x7F800000 : f32
    %broadcast_in_dim3A_173 = vector.broadcast %jit3A_172 : f32 to vector<8x8x2048xf32>
    %select_n3A_174 = arith.select %eq3A_171, %broadcast_in_dim3A_173, %select_n3A_150 : vector<8x8x2048xi1>, vector<8x8x2048xf32>
    %reduce_min3A_175 = arith.constant dense<0x7F800000> : vector<8x8xf32>
    %reduce_min3A_176 = vector.multi_reduction <minimumf>, %select_n3A_174, %reduce_min3A_175 [2] : vector<8x8x2048xf32> to vector<8x8xf32>
    %broadcast_in_dim3A_177 = vector.shape_cast %reduce_min3A_176 : vector<8x8xf32> to vector<8x8x1xf32>
    %reduce_min3A_178 = arith.constant dense<0x7F800000> : vector<8x1xf32>
    %reduce_min3A_179 = vector.multi_reduction <minimumf>, %broadcast_in_dim3A_177, %reduce_min3A_178 [1] : vector<8x8x1xf32> to vector<8x1xf32>
    %broadcast_in_dim3A_180 = vector.shape_cast %reduce_min3A_179 : vector<8x1xf32> to vector<8x1x1xf32>
    %eq3A_181 = vector.broadcast %broadcast_in_dim3A_180 : vector<8x1x1xf32> to vector<8x8x2048xf32>
    %eq3A_182 = arith.cmpf oeq, %select_n3A_174, %eq3A_181 : vector<8x8x2048xf32>
    %jit3A_183 = arith.constant 16384 : i32
    %broadcast_in_dim3A_184 = vector.broadcast %jit3A_183 : i32 to vector<8x8x2048xi32>
    %select_n3A_185 = arith.select %eq3A_182, %add3A_34, %broadcast_in_dim3A_184 : vector<8x8x2048xi1>, vector<8x8x2048xi32>
    %reduce_min3A_186 = arith.constant dense<2147483647> : vector<8x8xi32>
    %reduce_min3A_187 = vector.multi_reduction <minsi>, %select_n3A_185, %reduce_min3A_186 [2] : vector<8x8x2048xi32> to vector<8x8xi32>
    %broadcast_in_dim3A_188 = vector.shape_cast %reduce_min3A_187 : vector<8x8xi32> to vector<8x8x1xi32>
    %reduce_min3A_189 = arith.constant dense<2147483647> : vector<8x1xi32>
    %reduce_min3A_190 = vector.multi_reduction <minsi>, %broadcast_in_dim3A_188, %reduce_min3A_189 [1] : vector<8x8x1xi32> to vector<8x1xi32>
    %broadcast_in_dim3A_191 = vector.shape_cast %reduce_min3A_190 : vector<8x1xi32> to vector<8x1x1xi32>
    %reshape3A_192 = vector.shape_cast %broadcast_in_dim3A_180 : vector<8x1x1xf32> to vector<8x1xf32>
    %reshape3A_193 = vector.shape_cast %broadcast_in_dim3A_191 : vector<8x1x1xi32> to vector<8x1xi32>
    %eq3A_194 = vector.broadcast %broadcast_in_dim3A_191 : vector<8x1x1xi32> to vector<8x8x2048xi32>
    %eq3A_195 = arith.cmpi eq, %select_n3A_185, %eq3A_194 : vector<8x8x2048xi32>
    %jit3A_196 = arith.constant 0x7F800000 : f32
    %broadcast_in_dim3A_197 = vector.broadcast %jit3A_196 : f32 to vector<8x8x2048xf32>
    %select_n3A_198 = arith.select %eq3A_195, %broadcast_in_dim3A_197, %select_n3A_174 : vector<8x8x2048xi1>, vector<8x8x2048xf32>
    %reduce_min3A_199 = arith.constant dense<0x7F800000> : vector<8x8xf32>
    %reduce_min3A_200 = vector.multi_reduction <minimumf>, %select_n3A_198, %reduce_min3A_199 [2] : vector<8x8x2048xf32> to vector<8x8xf32>
    %broadcast_in_dim3A_201 = vector.shape_cast %reduce_min3A_200 : vector<8x8xf32> to vector<8x8x1xf32>
    %reduce_min3A_202 = arith.constant dense<0x7F800000> : vector<8x1xf32>
    %reduce_min3A_203 = vector.multi_reduction <minimumf>, %broadcast_in_dim3A_201, %reduce_min3A_202 [1] : vector<8x8x1xf32> to vector<8x1xf32>
    %broadcast_in_dim3A_204 = vector.shape_cast %reduce_min3A_203 : vector<8x1xf32> to vector<8x1x1xf32>
    %eq3A_205 = vector.broadcast %broadcast_in_dim3A_204 : vector<8x1x1xf32> to vector<8x8x2048xf32>
    %eq3A_206 = arith.cmpf oeq, %select_n3A_198, %eq3A_205 : vector<8x8x2048xf32>
    %jit3A_207 = arith.constant 16384 : i32
    %broadcast_in_dim3A_208 = vector.broadcast %jit3A_207 : i32 to vector<8x8x2048xi32>
    %select_n3A_209 = arith.select %eq3A_206, %add3A_34, %broadcast_in_dim3A_208 : vector<8x8x2048xi1>, vector<8x8x2048xi32>
    %reduce_min3A_210 = arith.constant dense<2147483647> : vector<8x8xi32>
    %reduce_min3A_211 = vector.multi_reduction <minsi>, %select_n3A_209, %reduce_min3A_210 [2] : vector<8x8x2048xi32> to vector<8x8xi32>
    %broadcast_in_dim3A_212 = vector.shape_cast %reduce_min3A_211 : vector<8x8xi32> to vector<8x8x1xi32>
    %reduce_min3A_213 = arith.constant dense<2147483647> : vector<8x1xi32>
    %reduce_min3A_214 = vector.multi_reduction <minsi>, %broadcast_in_dim3A_212, %reduce_min3A_213 [1] : vector<8x8x1xi32> to vector<8x1xi32>
    %broadcast_in_dim3A_215 = vector.shape_cast %reduce_min3A_214 : vector<8x1xi32> to vector<8x1x1xi32>
    %reshape3A_216 = vector.shape_cast %broadcast_in_dim3A_204 : vector<8x1x1xf32> to vector<8x1xf32>
    %reshape3A_217 = vector.shape_cast %broadcast_in_dim3A_215 : vector<8x1x1xi32> to vector<8x1xi32>
    %concatenate3A_218 = tpu.concatenate %reshape3A_48, %reshape3A_72, %reshape3A_96, %reshape3A_120, %reshape3A_144, %reshape3A_168, %reshape3A_192, %reshape3A_216 in 1 : vector<8x1xf32>, vector<8x1xf32>, vector<8x1xf32>, vector<8x1xf32>, vector<8x1xf32>, vector<8x1xf32>, vector<8x1xf32>, vector<8x1xf32> -> vector<8x8xf32>
    %reshape3A_219 = vector.shape_cast %concatenate3A_218 : vector<8x8xf32> to vector<1x8x8xf32>
    %swap3A = arith.constant 0 : index
    %swap3A_220 = arith.constant 0 : index
    %swap3A_221 = arith.constant 0 : index
    %swap3A_222 = vector.load %arg5[%swap3A, %swap3A_220, %swap3A_221] : memref<1x8x8xf32, #tpu.memory_space<vmem>>, vector<1x8x8xf32>
    tpu.vector_store %arg5[%swap3A, %swap3A_220, %swap3A_221], %reshape3A_219 {strides = array<i32>} : memref<1x8x8xf32, #tpu.memory_space<vmem>>, vector<1x8x8xf32>,
    %concatenate3A_223 = tpu.concatenate %reshape3A_49, %reshape3A_73, %reshape3A_97, %reshape3A_121, %reshape3A_145, %reshape3A_169, %reshape3A_193, %reshape3A_217 in 1 : vector<8x1xi32>, vector<8x1xi32>, vector<8x1xi32>, vector<8x1xi32>, vector<8x1xi32>, vector<8x1xi32>, vector<8x1xi32>, vector<8x1xi32> -> vector<8x8xi32>
    %mul3A_224 = arith.constant 16384 : i32
    %mul3A_225 = arith.muli %arg0, %mul3A_224 : i32
    %add3A_226 = vector.broadcast %mul3A_225 : i32 to vector<8x8xi32>
    %add3A_227 = arith.addi %concatenate3A_223, %add3A_226 : vector<8x8xi32>
    %reshape3A_228 = vector.shape_cast %add3A_227 : vector<8x8xi32> to vector<1x8x8xi32>
    %swap3A_229 = arith.constant 0 : index
    %swap3A_230 = arith.constant 0 : index
    %swap3A_231 = arith.constant 0 : index
    %swap3A_232 = vector.load %arg6[%swap3A_229, %swap3A_230, %swap3A_231] : memref<1x8x8xi32, #tpu.memory_space<vmem>>, vector<1x8x8xi32>
    tpu.vector_store %arg6[%swap3A_229, %swap3A_230, %swap3A_231], %reshape3A_228 {strides = array<i32>} : memref<1x8x8xi32, #tpu.memory_space<vmem>>, vector<1x8x8xi32>,
    return
  }
  func.func @transform_0(%arg0: i32) -> (i32, i32, i32) {
    %c0_i32 = arith.constant 0 : i32
    %c0_i32_0 = arith.constant 0 : i32
    %c0_i32_1 = arith.constant 0 : i32
    return %arg0, %c0_i32, %c0_i32_0 : i32, i32, i32
  }
  func.func @transform_1(%arg0: i32) -> (i32, i32, i32) {
    %c0_i32 = arith.constant 0 : i32
    %c0_i32_0 = arith.constant 0 : i32
    %c0_i32_1 = arith.constant 0 : i32
    return %arg0, %c0_i32, %c0_i32_0 : i32, i32, i32
  }
  func.func @transform_2(%arg0: i32) -> (i32, i32, i32) {
    %c0_i32 = arith.constant 0 : i32
    %c0_i32_0 = arith.constant 0 : i32
    %c0_i32_1 = arith.constant 0 : i32
    return %arg0, %c0_i32, %c0_i32_0 : i32, i32, i32
  }
  func.func @transform_3(%arg0: i32) -> (i32, i32, i32) {
    %c0_i32 = arith.constant 0 : i32
    %c0_i32_0 = arith.constant 0 : i32
    %c0_i32_1 = arith.constant 0 : i32
    return %arg0, %c0_i32, %c0_i32_0 : i32, i32, i32
  }
  func.func @transform_4(%arg0: i32) -> (i32, i32, i32) {
    %c0_i32 = arith.constant 0 : i32
    %c0_i32_0 = arith.constant 0 : i32
    %c0_i32_1 = arith.constant 0 : i32
    return %arg0, %c0_i32, %c0_i32_0 : i32, i32, i32
  }
  func.func @transform_5(%arg0: i32) -> (i32, i32, i32) {
    %c0_i32 = arith.constant 0 : i32
    %c0_i32_0 = arith.constant 0 : i32
    %c0_i32_1 = arith.constant 0 : i32
    return %arg0, %c0_i32, %c0_i32_0 : i32, i32, i32
  }
}

module attributes {stable_mosaic.version = 14 : i64} {
  func.func @_norm_body(%arg0: memref<32x8x8xf32, #tpu.memory_space<vmem>>, %arg1: memref<32x8x8xf32, #tpu.memory_space<vmem>>) attributes {dimension_semantics = [], scalar_prefetch = 0 : i64, scratch_operands = 0 : i64, tpu.core_type = #tpu.core_type<tc>} {
    %get3A = arith.constant 0 : index
    %get3A_0 = arith.constant 0 : index
    %get3A_1 = arith.constant 0 : index
    %get3A_2 = vector.load %arg0[%get3A, %get3A_0, %get3A_1] : memref<32x8x8xf32, #tpu.memory_space<vmem>>, vector<32x8x8xf32>
    %reduce_max3A = arith.constant dense<0xFF800000> : vector<32x8xf32>
    %reduce_max3A_3 = vector.multi_reduction <maximumf>, %get3A_2, %reduce_max3A [2] : vector<32x8x8xf32> to vector<32x8xf32>
    %broadcast_in_dim3A = vector.shape_cast %reduce_max3A_3 : vector<32x8xf32> to vector<32x8x1xf32>
    %reduce_max3A_4 = arith.constant dense<0xFF800000> : vector<8x1xf32>
    %reduce_max3A_5 = vector.multi_reduction <maximumf>, %broadcast_in_dim3A, %reduce_max3A_4 [0] : vector<32x8x1xf32> to vector<8x1xf32>
    %broadcast_in_dim3A_6 = vector.shape_cast %reduce_max3A_5 : vector<8x1xf32> to vector<1x8x1xf32>
    %div3A = vector.broadcast %broadcast_in_dim3A_6 : vector<1x8x1xf32> to vector<32x8x8xf32>
    %div3A_7 = arith.divf %get3A_2, %div3A : vector<32x8x8xf32>
    %swap3A = arith.constant 0 : index
    %swap3A_8 = arith.constant 0 : index
    %swap3A_9 = arith.constant 0 : index
    %swap3A_10 = vector.load %arg1[%swap3A, %swap3A_8, %swap3A_9] : memref<32x8x8xf32, #tpu.memory_space<vmem>>, vector<32x8x8xf32>
    tpu.vector_store %arg1[%swap3A, %swap3A_8, %swap3A_9], %div3A_7 {strides = array<i32>} : memref<32x8x8xf32, #tpu.memory_space<vmem>>, vector<32x8x8xf32>,
    return
  }
}

module attributes {stable_mosaic.version = 14 : i64} {
  func.func @_half_body(%arg0: memref<2048x128xf32, #tpu.memory_space<vmem>>, %arg1: memref<2048x1xi32, #tpu.memory_space<vmem>>, %arg2: memref<2048x64xf32, #tpu.memory_space<vmem>>) attributes {dimension_semantics = [], scalar_prefetch = 0 : i64, scratch_operands = 0 : i64, tpu.core_type = #tpu.core_type<tc>} {
    %get3A = arith.constant 0 : index
    %get3A_0 = arith.constant 0 : index
    %get3A_1 = vector.load %arg0[%get3A, %get3A_0] : memref<2048x128xf32, #tpu.memory_space<vmem>>, vector<2048x128xf32>
    %get3A_2 = arith.constant 0 : index
    %get3A_3 = arith.constant 0 : index
    %get3A_4 = vector.load %arg1[%get3A_2, %get3A_3] : memref<2048x1xi32, #tpu.memory_space<vmem>>, vector<2048x1xi32>
    %ne3A = arith.constant 0 : i32
    %ne3A_5 = vector.broadcast %ne3A : i32 to vector<2048x1xi32>
    %ne3A_6 = arith.cmpi ne, %get3A_4, %ne3A_5 : vector<2048x1xi32>
    %slice3A = vector.extract_strided_slice %get3A_1 {offsets = [0, 64], sizes = [2048, 64], strides = [1, 1]} : vector<2048x128xf32> to vector<2048x64xf32>
    %slice3A_7 = vector.extract_strided_slice %get3A_1 {offsets = [0, 0], sizes = [2048, 64], strides = [1, 1]} : vector<2048x128xf32> to vector<2048x64xf32>
    %broadcast_in_dim3A = vector.shape_cast %ne3A_6 : vector<2048x1xi1> to vector<2048x1xi1>
    %broadcast_in_dim3A_8 = vector.broadcast %broadcast_in_dim3A : vector<2048x1xi1> to vector<2048x64xi1>
    %select_n3A = arith.select %broadcast_in_dim3A_8, %slice3A, %slice3A_7 : vector<2048x64xi1>, vector<2048x64xf32>
    %swap3A = arith.constant 0 : index
    %swap3A_9 = arith.constant 0 : index
    %swap3A_10 = vector.load %arg2[%swap3A, %swap3A_9] : memref<2048x64xf32, #tpu.memory_space<vmem>>, vector<2048x64xf32>
    tpu.vector_store %arg2[%swap3A, %swap3A_9], %select_n3A {strides = array<i32>} : memref<2048x64xf32, #tpu.memory_space<vmem>>, vector<2048x64xf32>,
    return
  }
}

</mosaic_0001>

<sc_bundles>
// kernel: kernel.6.cloned.1.call-start
scs
__scs_entry_jumppad:
0x0: {  	(pc) =	sbr.rel $0x88, $3  }
0x1: {  	(tag) =	ssettag $0x0;
	lr =	simm.s32 $0x1  }
0x2: {  	[smem:$0x3F9D] =	sst lr;
	_ =	strace $0xD0000000  }
0x3: {  	_ = 	snop  }
0x4: {  	_ = 	snop  }
0x5: {  	_ = 	snop  }
0x6: {  	_ = 	snop  }
0x7: {  	_ = 	snop  }
__scs_overlays_trampoline_lowered:
0x8: {  	[smem:$0x3FAC] =	sst s0  }
0x9: {  	[smem:$0x3FAD] =	sst s1  }
0xa: {  	[smem:$0x3FAE] =	sst s2  }
0xb: {  	[smem:$0x3FAF] =	sst s3  }
0xc: {  	[smem:$0x3FB0] =	sst s4  }
0xd: {  	[smem:$0x3FB1] =	sst s5  }
0xe: {  	[smem:$0x3FB2] =	sst s6  }
0xf: {  	[smem:$0x3FB3] =	sst s7  }
0x10: {  	[smem:$0x3FB4] =	sst s8  }
0x11: {  	[smem:$0x3FB5] =	sst s9;
	s0 =	simm.s32 @!p0 $0x0  }
0x12: {  	s1 =	sld [smem:$0x3F9B];
	s0 =	simm.s32 @p0 $0x1  }
0x13: {  	[smem:$0x3FB6] =	sst s0;
	s0 =	simm.s32 @!p1 $0x0  }
0x14: {  	s2 =	sld [smem:$0x3F9A];
	s0 =	simm.s32 @p1 $0x1  }
0x15: {  	[smem:$0x3FB7] =	sst s0;
	s0 =	simm.s32 @!p2 $0x0  }
0x16: {  	s3 =	sld [smem:$0x3FDB];
	s0 =	simm.s32 @p2 $0x1  }
0x17: {  	s4 =	simm.s32 $0x1BF5;
	[smem:$0x3FB9] =	sst s0  }
0x18: {  	s0 =	sld [smem:$0x3F9C];
	_ =	swait.ge [sflag:s4], $0x0  }
0x19: {  	s7 =	sld [smem:$0x3F9D]  }
0x1a: {  	s8 =	sadd.s32 $0xFFFFE003, lr  }
0x1b: {  	s9 =	sadd.s32 $0xFFFFFEF7, lr;
	s5 =	simm.s32 $0xFFFFFFFF;
	p2 =	slt.u32 s8, $0xFFFFF086  }
0x1c: {  	p1 =	slt.u32 s9, $0xF7A;
	s5 =	simm.s32 @!p2 $0x0  }
0x1d: {  	s5 =	simm.s32 @p1 $0x1;
	p0 =	seq.s32 s7, s2  }
0x1e: {  	s7 =	smul.u32 @!p0 $0xF7A, s2;
	p2 =	seq.s32 @!p0 s5, $0x0  }
0x1f: {  	s9 =	smul.u32 $0xF7A, s1;
	s8 =	simm.s32 @!p0 $0x1BF5;
	p2 =	por !p2, p0  }
0x20: {  	[sflag:s8] =	ssyncset.s32 @!p0 $0xFFFFF086;
	s6 =	sadd.s32 @!p0 s3, s7;
	s7 =	simm.s32 @!p0 $0x108  }
0x21: {  	s3 =	sadd.s32 s3, s9;
	s6 =	sadd.s32 @!p0 $0x88, s6;
	s7 =	simm.s32 @p2 $0x1082  }
0x22: {  	[simem:s7], [sflag:s8] =	dma.local @!p0 [hbm:s6], $0xF7A  }
0x23: {  	s9 =	sor.u32 $0xD0000000, s2;
	s6 =	simm.s32 $0x108;
	_ =	swait.ge @!p0 [sflag:s8], $0x0  }
0x24: {  	s3 =	sadd.s32 $0x88, s3;
	s6 =	simm.s32 @!p1 $0x1082;
	[sflag:s4] =	ssyncset.s32 $0xFFFFF086  }
0x25: {  	[simem:s6], [sflag:s4] =	dma.local [hbm:s3], $0xF7A  }
0x26: {  	[smem:$0x3F9D] =	sst s1;
	(tag) =	ssettag s2;
	_ =	strace s9  }
0x27: {  	s1 =	sld [smem:$0x3FAD]  }
0x28: {  	s2 =	sld [smem:$0x3FAE]  }
0x29: {  	s4 =	sld [smem:$0x3FB0]  }
0x2a: {  	p0 =	seq.s32 s5, $0x0;
	s5 =	sld [smem:$0x3FB1]  }
0x2b: {  	s6 =	sld [smem:$0x3FB2]  }
0x2c: {  	s7 =	sld [smem:$0x3FB3]  }
0x2d: {  	s3 =	simm.s32 $0x108;
	s8 =	sld [smem:$0x3FB4]  }
0x2e: {  	s3 =	simm.s32 @!p0 $0x1082;
	s9 =	sld [smem:$0x3FB5]  }
0x2f: {  	lr =	sadd.s32 s0, s3;
	s0 =	sld [smem:$0x3FAC]  }
0x30: {  	s3 =	sld [smem:$0x3FAF]  }
0x31: {  	[smem:$0x3FB8] =	sst s10  }
0x32: {  	s10 =	sld [smem:$0x3FB6];
	_ =	sdelay $0x3  }
0x33: {  	p0 =	seq.s32 s10, $0x1;
	s10 =	sld [smem:$0x3FB8];
	_ =	sdelay $0x3  }
0x34: {  	[smem:$0x3FB8] =	sst s10  }
0x35: {  	s10 =	sld [smem:$0x3FB7];
	_ =	sdelay $0x3  }
0x36: {  	p1 =	seq.s32 s10, $0x1;
	s10 =	sld [smem:$0x3FB8];
	_ =	sdelay $0x3  }
0x37: {  	[smem:$0x3FB8] =	sst s10  }
0x38: {  	s10 =	sld [smem:$0x3FB9]  }
0x39: {  	_ = 	snop;
	(pc) =	sbr.ind lr, $3  }
0x3a: {  	_ = 	snop  }
0x3b: {  	_ = 	snop  }
0x3c: {  	p2 =	seq.s32 s10, $0x1;
	s10 =	sld [smem:$0x3FB8]  }
0x3d: {  	_ =	shalt  }
0x3e: {  	_ =	shalt  }
0x3f: {  	_ =	shalt  }
0x40: {  	_ =	shalt  }
0x41: {  	_ =	shalt  }
0x42: {  	_ =	shalt  }
0x43: {  	_ =	shalt  }
0x44: {  	_ =	shalt  }
0x45: {  	_ =	shalt  }
0x46: {  	_ =	shalt  }
0x47: {  	_ =	shalt  }
0x48: {  	_ =	shalt  }
0x49: {  	_ =	shalt  }
0x4a: {  	_ =	shalt  }
0x4b: {  	_ =	shalt  }
0x4c: {  	_ =	shalt  }
0x4d: {  	_ =	shalt  }
0x4e: {  	_ =	shalt  }
0x4f: {  	_ =	shalt  }
0x50: {  	_ =	shalt  }
0x51: {  	_ =	shalt  }
0x52: {  	_ =	shalt  }
0x53: {  	_ =	shalt  }
0x54: {  	_ =	shalt  }
0x55: {  	_ =	shalt  }
0x56: {  	_ =	shalt  }
0x57: {  	_ =	shalt  }
0x58: {  	_ =	shalt  }
0x59: {  	_ =	shalt  }
0x5a: {  	_ =	shalt  }
0x5b: {  	_ =	shalt  }
0x5c: {  	_ =	shalt  }
0x5d: {  	_ =	shalt  }
0x5e: {  	_ =	shalt  }
0x5f: {  	_ =	shalt  }
0x60: {  	_ =	shalt  }
0x61: {  	_ =	shalt  }
0x62: {  	_ =	shalt  }
0x63: {  	_ =	shalt  }
0x64: {  	_ =	shalt  }
0x65: {  	_ =	shalt  }
0x66: {  	_ =	shalt  }
0x67: {  	_ =	shalt  }
0x68: {  	_ =	shalt  }
0x69: {  	_ =	shalt  }
0x6a: {  	_ =	shalt  }
0x6b: {  	_ =	shalt  }
0x6c: {  	_ =	shalt  }
0x6d: {  	_ =	shalt  }
0x6e: {  	_ =	shalt  }
0x6f: {  	_ =	shalt  }
0x70: {  	_ =	shalt  }
0x71: {  	_ =	shalt  }
0x72: {  	_ =	shalt  }
0x73: {  	_ =	shalt  }
0x74: {  	_ =	shalt  }
0x75: {  	_ =	shalt  }
0x76: {  	_ =	shalt  }
0x77: {  	_ =	shalt  }
0x78: {  	_ =	shalt  }
0x79: {  	_ =	shalt  }
0x7a: {  	_ =	shalt  }
0x7b: {  	_ =	shalt  }
0x7c: {  	_ =	shalt  }
0x7d: {  	_ =	shalt  }
0x7e: {  	_ =	shalt  }
0x7f: {  	_ =	shalt  }
0x80: {  	_ =	shalt  }
0x81: {  	_ =	shalt  }
0x82: {  	_ =	shalt  }
0x83: {  	_ =	shalt  }
0x84: {  	_ =	shalt  }
0x85: {  	_ =	shalt  }
0x86: {  	_ =	shalt  }
0x87: {  	_ =	shalt  }
.Lfunc_end0:
.L_simem_size_0:
called_computation_lowered:
.L_overlay_start_0:
0x88: {  	s2 =	sld [smem:$0x3FD9]  }
0x89: {  	s3 =	sld [smem:$0x3FFE];
	_ =	sdelay $0x1  }
0x8a: {  	s1 =	srdreg.scid  }
0x8b: {  	s0 =	sand.u32 $0x1, s1  }
0x8c: {  	s14 =	sshll.u32 s0, $0xA;
	s2 =	sadd.s32 s3, s2  }
0x8d: {  	s2 =	sadd.s32 s2, s14  }
0x8e: {  	[smem:$0x3FC4] =	sst s2  }
0x8f: {  	_ = 	snop  }
0x90: {  	s2 =	sld [smem:$0x3FD0];
	_ =	sdelay $0x2  }
0x91: {  	s15 =	simm.s32 $0xA;
	s4 =	simm.s32 $0x10  }
0x92: {  	[smem:s4], [sflag:s15] =	dma.local [hbm:s2], $0x1  }
0x93: {  	_ =	swait.eq [sflag:s15], $0x1  }
0x94: {  	[sflag:s15] =	ssyncset.done $0x0  }
0x95: {  	[sflag:s15] =	ssyncadd.s32 $0xFFFFFFFF  }
0x96: {  	s16 =	sld [smem:$0x10];
	(tm) =	ssettm $0x1  }
0x97: {  	s17 =	sld [smem:$0x3FFB];
	_ =	sdelay $0x3  }
0x98: {  	_ =	strace s17  }
0x99: {  	s3 =	sld [smem:$0x3FFC];
	_ =	sdelay $0x3  }
0x9a: {  	_ =	strace s3  }
0x9b: {  	s3 =	sld [smem:$0x3FFD];
	_ =	sdelay $0x3  }
0x9c: {  	_ =	strace s3  }
0x9d: {  	_ =	strace $0x8FFFFFFF  }
0x9e: {  	s18 =	sld [smem:$0x3FDB];
	_ =	sdelay $0x1  }
0x9f: {  	s19 =	simm.s32 $_scs_section_size  }
0xa0: {  	s5 =	simm.s32 $_size__tile_overlayer_lowered;
	s6 =	simm.s32 $_tile_overlayer_lowered  }
0xa1: {  	s22 =	simm.s32 $0x1BFF;
	s21 =	sshll.u32 s6, $0x1;
	s3 =	sadd.s32 s19, s18  }
0xa2: {  	s7 =	simm.s32 $0x0;
	s20 =	sshll.u32 s5, $0x1;
	s5 =	sadd.s32 s21, s3  }
0xa3: {  	[timem:s7], [sflag:s22] =	dma.local [hbm:s5], s20  }
0xa4: {  	_ =	swait.ge [sflag:s22], s20  }
0xa5: {  	s4 =	ssub.s32 $0x0, s20;
	[sflag:s22] =	ssyncset.done $0x0  }
0xa6: {  	[sflag:s22] =	ssyncadd.s32 s4;
	_ =	sdelay $0x1  }
0xa7: {  	s23 =	simm.s32 $0x1B8B  }
0xa8: {  	_ =	swait.ge [sflag:s23], $0x1  }
0xa9: {  	[sflag:s23] =	ssyncset.done $0x0  }
0xaa: {  	s25 =	simm.s32 $0x1B8E;
	s24 =	sld [smem:$0x3FFE];
	[sflag:s23] =	ssyncadd.s32 $0xFFFFFFFF  }
0xab: {  	s26 =	simm.s32 $execute0_lowered;
	[smem:$0x3FD2] =	sst s25  }
0xac: {  	s5 =	sshll.u32 s26, $0x1;
	_ =	strace $0x80000046;
	[dreg:$0x1] =	wrdreg $0xFFFFFFFF  }
0xad: {  	s28 =	simm.s32 $_size_execute0_lowered;
	s3 =	sadd.s32 s3, s5;
	[dreg:$0x0] =	wrdreg $0x0  }
0xae: {  	s5 =	sshll.u32 s28, $0x1;
	[dreg:$0x2] =	wrdreg s3  }
0xaf: {  	[dreg:$0x3] =	wrdreg s5  }
0xb0: {  	[dreg:$0x4] =	wrdreg $0xC0  }
0xb1: {  	_ =	task [dreg:s7], $0x5FFFF  }
0xb2: {  	[dreg:$0x1] =	wrdreg $0xFFFFFFFF  }
0xb3: {  	[dreg:$0x0] =	wrdreg $0x60  }
0xb4: {  	[dreg:$0x2] =	wrdreg s24  }
0xb5: {  	[dreg:$0x3] =	wrdreg s16  }
0xb6: {  	[dreg:$0x4] =	wrdreg $0x9  }
0xb7: {  	_ =	task.clear_ibuf [dreg:s7], $0x5FFFF;
	_ =	strace $0x90000046  }
0xb8: {  	s29 =	simm.s32 $0x9;
	_ =	strace $0x80000048  }
0xb9: {  	_ =	swait.ge [sflag:s29], $0x1  }
0xba: {  	[sflag:s29] =	ssyncadd.s32 $0xFFFFFFFF  }
0xbb: {  	_ =	strace $0x90000048  }
0xbc: {  	_ =	sfence  }
0xbd: {  	s30 =	sld [smem:$0x0];
	_ =	sdelay $0x2  }
0xbe: {  	s31 =	sshll.u32 s1, $0xD;
	s1 =	sshrl.u32 s1, $0x2  }
0xbf: {  	s3 =	sand.u32 $0x4000, s31;
	s1 =	sadd.s32 s1, s30  }
0xc0: {  	s0 =	sor.u32 s3, s0;
	s1 =	sshll.u32 s1, $0x11  }
0xc1: {  	s0 =	sor.u32 s1, s0  }
0xc2: {  	s0 =	sadd.s32 $0x8F2B, s0  }
0xc3: {  	[sflag:s0] =	ssyncadd.remote.s32 $0x1  }
0xc4: {  	_ =	sfence.sel $0xFFFF  }
0xc5: {  	[dreg:$0x0] =	wrdreg $0xFFFFFFFF;
	(pc) =	sbr.abs _section_cstart, $3  }
0xc6: {  	[dreg:$0x1] =	wrdreg $0xFFFFFFFF  }
0xc7: {  	_ =	task.clear_ibuf [dreg:s7], $0x2FFFF;
	_ =	strace $0x9FFFFFFF  }
0xc8: {  	(tm) =	ssettm $0x7FFFFFFF  }
0xc9: {  	_ =	shalt  }
tec
execute0_lowered:
.L_overlay_start_1:
0x0: {  	(tag) =	ssettag $0x1  }
0x1: {  	s1 =	srdreg.scid;
	s0 =	stileid.u32  }
0x2: {  	s5 =	rddreg [dreg:$0x0];
	s20 =	sand.u32 $0x1, s1;
	s31 =	sshll.u32 s0, $0x1  }
0x3: {  	s9 =	rddreg [dreg:$0x1];
	s10 =	sor.u32 s20, s31  }
0x4: {  	s2 =	simm.s32 $0x0;
	s1 =	rddreg [dreg:$0x2];
	s3 =	sshll.u32 s10, $0x3  }
0x5: {  	[smem:$0x7FF] =	sst s2;
	s3 =	sadd.s32 s3, s5  }
0x6: {  	_ =	strace $0x80000047;
	s4 =	sadd.s32 $0x1000, s3;
	s3 =	simm.s32 $0x2  }
0x7: {  	[tilespmem:s2], [sflag:$0x2] =	stream.linear.gather [hbm4b:s4+s2], $0x40, $0x38;
	[tilespmem:$0x2080] =	vst v63  }
0x8: {  	_ =	swait.ge [sflag:s3], $0x40  }
0x9: {  	s6 =	simm.s32 $0x40;
	s7 =	simm.s32 $0x80;
	[sflag:s3] =	ssyncset.done $0x0  }
0xa: {  	s8 =	simm.s32 $0x1;
	s5 =	sadd.s32 $0xC11000, s5;
	[sflag:s3] =	ssyncadd.s32 $0xFFFFFFC0  }
0xb: {  	[tilespmem:s7], [sflag:$0x1] =	stream.indirect.gather [hbm4b:s5+s6], $0x80, s2, s6, $0xb8;
	[tilespmem:$0x2080] =	vst v63  }
0xc: {  	_ =	swait.ge [sflag:s8], $0x2000  }
0xd: {  	s10 =	sshll.u32 s10, $0x7;
	[sflag:s8] =	ssyncset.done $0x0  }
0xe: {  	s9 =	sadd.s32 s9, s10;
	[sflag:s8] =	ssyncadd.s32 $0xFFFFE000  }
0xf: {  	[hbm4b:s9+s2] =	stream.linear.scatter [tilespmem:s7], [sflag:$0x2], $0x400, $0x38;
	[tilespmem:$0x2080] =	vst v63  }
0x10: {  	_ =	swait.ge [sflag:s3], $0x400  }
0x11: {  	[sflag:s3] =	ssyncset.done $0x0  }
0x12: {  	s11 =	simm.s32 $0x480;
	s10 =	sadd.s32 $0x1000, s9;
	[sflag:s3] =	ssyncadd.s32 $0xFFFFFC00  }
0x13: {  	[hbm4b:s10+s2] =	stream.linear.scatter [tilespmem:s11], [sflag:$0x2], $0x400, $0x38;
	[tilespmem:$0x2080] =	vst v63  }
0x14: {  	_ =	swait.ge [sflag:s3], $0x400  }
0x15: {  	[sflag:s3] =	ssyncset.done $0x0  }
0x16: {  	s13 =	simm.s32 $0x880;
	s12 =	sadd.s32 $0x2000, s9;
	[sflag:s3] =	ssyncadd.s32 $0xFFFFFC00  }
0x17: {  	[hbm4b:s12+s2] =	stream.linear.scatter [tilespmem:s13], [sflag:$0x2], $0x400, $0x38;
	[tilespmem:$0x2080] =	vst v63  }
0x18: {  	_ =	swait.ge [sflag:s3], $0x400  }
0x19: {  	[sflag:s3] =	ssyncset.done $0x0  }
0x1a: {  	s15 =	simm.s32 $0xC80;
	s14 =	sadd.s32 $0x3000, s9;
	[sflag:s3] =	ssyncadd.s32 $0xFFFFFC00  }
0x1b: {  	[hbm4b:s14+s2] =	stream.linear.scatter [tilespmem:s15], [sflag:$0x2], $0x400, $0x38;
	[tilespmem:$0x2080] =	vst v63  }
0x1c: {  	_ =	swait.ge [sflag:s3], $0x400  }
0x1d: {  	[sflag:s3] =	ssyncset.done $0x0  }
0x1e: {  	s17 =	simm.s32 $0x1080;
	s16 =	sadd.s32 $0x4000, s9;
	[sflag:s3] =	ssyncadd.s32 $0xFFFFFC00  }
0x1f: {  	[hbm4b:s16+s2] =	stream.linear.scatter [tilespmem:s17], [sflag:$0x2], $0x400, $0x38;
	[tilespmem:$0x2080] =	vst v63  }
0x20: {  	_ =	swait.ge [sflag:s3], $0x400  }
0x21: {  	s19 =	simm.s32 $0x1480;
	[sflag:s3] =	ssyncset.done $0x0  }
0x22: {  	s22 =	ssub.s32 $0x2, s20;
	s18 =	sadd.s32 $0x5000, s9;
	[sflag:s3] =	ssyncadd.s32 $0xFFFFFC00  }
0x23: {  	[hbm4b:s18+s2] =	stream.linear.scatter [tilespmem:s19], [sflag:$0x2], $0x400, $0x38;
	[tilespmem:$0x2080] =	vst v63  }
0x24: {  	s23 =	sshrl.u32 s22, $0x1;
	_ =	swait.ge [sflag:s3], $0x400  }
0x25: {  	s21 =	simm.s32 $0x1880;
	s23 =	ssub.s32 s22, s23;
	[sflag:s3] =	ssyncset.done $0x0  }
0x26: {  	s20 =	sadd.s32 $0x6000, s9;
	s24 =	smax.u32 s23, $0x1;
	[sflag:s3] =	ssyncadd.s32 $0xFFFFFC00  }
0x27: {  	[hbm4b:s20+s2] =	stream.linear.scatter [tilespmem:s21], [sflag:$0x2], $0x400, $0x38;
	[tilespmem:$0x2080] =	vst v63  }
0x28: {  	p0 =	sne.s32 s24, $0x1;
	_ =	swait.ge [sflag:s3], $0x400  }
.Ltmp0:
0x29: {  	[sflag:s3] =	ssyncset.done $0x0;
	(pc) =	sbr.rel @!p0 .LBB2_2-.Ltmp0, $4  }
0x2a: {  	s22 =	sadd.s32 $0x7000, s9;
	s23 =	simm.s32 $0x1C80;
	[sflag:s3] =	ssyncadd.s32 $0xFFFFFC00  }
0x2b: {  	[hbm4b:s22+s2] =	stream.linear.scatter [tilespmem:s23], [sflag:$0x2], $0x400, $0x38;
	[tilespmem:$0x2080] =	vst v63  }
0x2c: {  	_ =	swait.ge [sflag:s3], $0x400  }
0x2d: {  	s24 =	sadd.s32 $0xFFFFFFFF, s24;
	[sflag:s3] =	ssyncset.done $0x0  }
.LBB2_1:
0x2e: {  	p0 =	sne.s32 s24, $0x1;
	s24 =	sadd.s32 $0xFFFFFFFF, s24;
	[sflag:s3] =	ssyncadd.s32 $0xFFFFFC00  }
0x2f: {  	[tilespmem:s2], [sflag:$0x2] =	stream.linear.gather [hbm4b:s4+s2], $0x40, $0x38;
	[tilespmem:$0x2080] =	vst v63  }
0x30: {  	_ =	swait.ge [sflag:s3], $0x40  }
0x31: {  	[sflag:s3] =	ssyncset.done $0x0  }
0x32: {  	[sflag:s3] =	ssyncadd.s32 $0xFFFFFFC0  }
0x33: {  	[tilespmem:s7], [sflag:$0x1] =	stream.indirect.gather [hbm4b:s5+s6], $0x80, s2, s6, $0xb8;
	[tilespmem:$0x2080] =	vst v63  }
0x34: {  	_ =	swait.ge [sflag:s8], $0x2000  }
0x35: {  	[sflag:s8] =	ssyncset.done $0x0  }
0x36: {  	[sflag:s8] =	ssyncadd.s32 $0xFFFFE000  }
0x37: {  	[hbm4b:s9+s2] =	stream.linear.scatter [tilespmem:s7], [sflag:$0x2], $0x400, $0x38;
	[tilespmem:$0x2080] =	vst v63  }
0x38: {  	_ =	swait.ge [sflag:s3], $0x400  }
0x39: {  	[sflag:s3] =	ssyncset.done $0x0  }
0x3a: {  	[sflag:s3] =	ssyncadd.s32 $0xFFFFFC00  }
0x3b: {  	[hbm4b:s10+s2] =	stream.linear.scatter [tilespmem:s11], [sflag:$0x2], $0x400, $0x38;
	[tilespmem:$0x2080] =	vst v63  }
0x3c: {  	_ =	swait.ge [sflag:s3], $0x400  }
0x3d: {  	[sflag:s3] =	ssyncset.done $0x0  }
0x3e: {  	[sflag:s3] =	ssyncadd.s32 $0xFFFFFC00  }
0x3f: {  	[hbm4b:s12+s2] =	stream.linear.scatter [tilespmem:s13], [sflag:$0x2], $0x400, $0x38;
	[tilespmem:$0x2080] =	vst v63  }
0x40: {  	_ =	swait.ge [sflag:s3], $0x400  }
0x41: {  	[sflag:s3] =	ssyncset.done $0x0  }
0x42: {  	[sflag:s3] =	ssyncadd.s32 $0xFFFFFC00  }
0x43: {  	[hbm4b:s14+s2] =	stream.linear.scatter [tilespmem:s15], [sflag:$0x2], $0x400, $0x38;
	[tilespmem:$0x2080] =	vst v63  }
0x44: {  	_ =	swait.ge [sflag:s3], $0x400  }
0x45: {  	[sflag:s3] =	ssyncset.done $0x0  }
0x46: {  	[sflag:s3] =	ssyncadd.s32 $0xFFFFFC00  }
0x47: {  	[hbm4b:s16+s2] =	stream.linear.scatter [tilespmem:s17], [sflag:$0x2], $0x400, $0x38;
	[tilespmem:$0x2080] =	vst v63  }
0x48: {  	_ =	swait.ge [sflag:s3], $0x400  }
0x49: {  	[sflag:s3] =	ssyncset.done $0x0  }
0x4a: {  	[sflag:s3] =	ssyncadd.s32 $0xFFFFFC00  }
0x4b: {  	[hbm4b:s18+s2] =	stream.linear.scatter [tilespmem:s19], [sflag:$0x2], $0x400, $0x38;
	[tilespmem:$0x2080] =	vst v63  }
0x4c: {  	_ =	swait.ge [sflag:s3], $0x400  }
0x4d: {  	[sflag:s3] =	ssyncset.done $0x0  }
0x4e: {  	[sflag:s3] =	ssyncadd.s32 $0xFFFFFC00  }
0x4f: {  	[hbm4b:s20+s2] =	stream.linear.scatter [tilespmem:s21], [sflag:$0x2], $0x400, $0x38;
	[tilespmem:$0x2080] =	vst v63  }
0x50: {  	_ =	swait.ge [sflag:s3], $0x400  }
.Ltmp1:
0x51: {  	[sflag:s3] =	ssyncset.done $0x0;
	(pc) =	sbr.rel @p0 .LBB2_1-.Ltmp1, $4  }
0x52: {  	[sflag:s3] =	ssyncadd.s32 $0xFFFFFC00  }
0x53: {  	[hbm4b:s22+s2] =	stream.linear.scatter [tilespmem:s23], [sflag:$0x2], $0x400, $0x38;
	[tilespmem:$0x2080] =	vst v63  }
0x54: {  	_ =	swait.ge [sflag:s3], $0x400  }
0x55: {  	[sflag:s3] =	ssyncset.done $0x0  }
.LBB2_2:
0x56: {  	[sflag:s3] =	ssyncadd.s32 $0xFFFFFC00  }
0x57: {  	_ =	sfence.sel $0x180000  }
0x58: {  	[bflag:$0x0] =	sbarrier.arrive $0xFFFF  }
0x59: {  	p0 =	sne.s32 s0, $0x0;
	_ =	strace $0x90000047  }
0x5a: {  	s0 =	sadd.s32 @!p0 $0x100000, s1;
	[bflag:$0x2] =	sbarrier.arrive $0xFFFF  }
0x5b: {  	[sflag:s0] =	ssyncadd.tile.s32 @!p0 $0x1;
	_ =	shalt  }
.Lfunc_end2:
_tile_overlayer_lowered:
.L_overlay_start_2:
0x5c: {  	(tag) =	ssettag $0x2  }
0x5d: {  	s0 =	rddreg [dreg:$0x0];
	s2 =	stileid.u32  }
0x5e: {  	s1 =	rddreg [dreg:$0x1];
	p0 =	sne.s32 s2, $0x0  }
0x5f: {  	s3 =	rddreg [dreg:$0x2];
	[bflag:$0x3] =	sbarrier.arrive $0xFFFF;
	s2 =	simm.s32 @!p0 $0x1C02  }
0x60: {  	[timem:s3], [sflag:s2] =	dma.local @!p0 [hbm:s0], s1  }
0x61: {  	s0 =	simm.s32 @!p0 $0x2  }
0x62: {  	_ =	swait.ge @!p0 [sflag:s0], s1  }
0x63: {  	s1 =	ssub.s32 @!p0 $0x0, s1;
	[sflag:s0] =	ssyncset.done @!p0 $0x0  }
0x64: {  	[sflag:s0] =	ssyncadd.s32 @!p0 s1  }
0x65: {  	[bflag:$0x3] =	sbarrier.arrive $0xFFFF  }
0x66: {  	_ =	shalt  }

</sc_bundles>
